<compile_context>
chip_gen: v7x
topology: tpu7x:2x2x1
jax: 0.10.2.dev20260603
libtpu: 0.0.44.dev20260713+nightly
codegen_flags: <defaults>
</compile_context>

<pallas_src>
import functools
import jax
import jax.numpy as jnp
from jax import lax
from jax.experimental import pallas as pl
from jax.experimental.pallas import tpu as pltpu
from jax.experimental.pallas import tpu_sc as plsc

OUT_H = 256
OUT_W = 256
WP = OUT_W // 2
N_BOXES = 1000
NPAD = 1024
L = 16
NTILES = 32
BPT = NPAD // NTILES
UNROLL = 2
NPARAM = 7
PROW = 128


def _bf16_bits(x):
    b = lax.bitcast_convert_type(x, jnp.int32)
    r = b + jnp.int32(0x7FFF) + ((b >> 16) & 1)
    return (r >> 16) & jnp.int32(0xFFFF)


def _tc_body(conf_ref, bb_ref, mp_ref, pr_ref):
    bb = bb_ref[...]
    x1 = bb[:, 0:1]
    y1 = bb[:, 1:2]
    x2 = bb[:, 2:3]
    y2 = bb[:, 3:4]
    valid = ((x2 - x1) * (y2 - y1)) != 0.0

    gx = lax.broadcasted_iota(jnp.int32, (N_BOXES, OUT_H), 1).astype(
        jnp.float32) * 2.0 + 1.0
    in_y = (gx >= y1) & (gx <= y2) & valid

    gp = lax.broadcasted_iota(jnp.int32, (N_BOXES, WP), 1).astype(
        jnp.float32) * 4.0
    in_xe = ((gp + 1.0) >= x1) & ((gp + 1.0) <= x2) & valid
    in_xo = ((gp + 3.0) >= x1) & ((gp + 3.0) <= x2) & valid

    iyf = in_y.astype(jnp.float32)
    count_e = lax.dot_general(
        iyf, in_xe.astype(jnp.float32),
        dimension_numbers=(((0,), (0,)), ((), ())),
        preferred_element_type=jnp.float32)
    count_o = lax.dot_general(
        iyf, in_xo.astype(jnp.float32),
        dimension_numbers=(((0,), (0,)), ((), ())),
        preferred_element_type=jnp.float32)

    pc = 1.0 / (1.0 + jnp.exp(-conf_ref[0]))
    wsel = lax.broadcasted_iota(jnp.int32, (OUT_W, WP), 0)
    wp2 = lax.broadcasted_iota(jnp.int32, (OUT_W, WP), 1) * 2
    s_e = (wsel == wp2).astype(jnp.float32)
    s_o = (wsel == wp2 + 1).astype(jnp.float32)
    pc_e = jnp.dot(pc, s_e, preferred_element_type=jnp.float32)
    pc_o = jnp.dot(pc, s_o, preferred_element_type=jnp.float32)
    m_e = jnp.where((count_e > 0.5) & (count_e < 1.5), pc_e, -1.0)
    m_o = jnp.where((count_o > 0.5) & (count_o < 1.5), pc_o, -1.0)
    mp_ref[...] = _bf16_bits(m_e) | (_bf16_bits(m_o) << 16)

    def _lo_idx(lo):
        t = (lo - 1.0) * 0.5
        c = t.astype(jnp.int32)
        c = c + (c.astype(jnp.float32) < t).astype(jnp.int32)
        cf = c.astype(jnp.float32)
        c = c + (2.0 * cf + 1.0 < lo).astype(jnp.int32)
        cf = c.astype(jnp.float32)
        c = c - (2.0 * cf - 1.0 >= lo).astype(jnp.int32)
        return jnp.maximum(c, 0)

    def _hi_idx(hi):
        t = (hi - 1.0) * 0.5
        c = t.astype(jnp.int32)
        c = c - (c.astype(jnp.float32) > t).astype(jnp.int32)
        cf = c.astype(jnp.float32)
        c = c - (2.0 * cf + 1.0 > hi).astype(jnp.int32)
        cf = c.astype(jnp.float32)
        c = c + (2.0 * cf + 3.0 <= hi).astype(jnp.int32)
        return jnp.minimum(c, OUT_W - 1)

    x0 = _lo_idx(x1)
    x1i = _hi_idx(x2)
    y0 = _lo_idx(y1)
    y1i = _hi_idx(y2)
    wcnt = x1i - x0 + 1
    hcnt = y1i - y0 + 1
    ok = valid & (wcnt > 0) & (hcnt > 0)
    wx0 = x0 >> 1
    wcw = (x1i >> 1) - wx0 + 1
    area2 = jnp.where(ok, wcw * hcnt, 0)
    invww = jnp.where(wcw > 0, 1.0 / wcw.astype(jnp.float32), 1.0)
    invww_bits = lax.bitcast_convert_type(invww, jnp.int32)

    packed = jnp.concatenate(
        [jnp.broadcast_to(p, (N_BOXES, L))
         for p in (x0, x1i, y0, wx0, wcw, area2, invww_bits)]
        + [jnp.zeros((N_BOXES, PROW - NPARAM * L), jnp.int32)],
        axis=1)
    pr_ref[0:N_BOXES, :] = packed
    pr_ref[N_BOXES:NPAD, :] = jnp.zeros(
        (NPAD - N_BOXES, PROW), jnp.int32)


_tc_call = pl.pallas_call(
    _tc_body,
    out_shape=(
        jax.ShapeDtypeStruct((OUT_H, WP), jnp.int32),
        jax.ShapeDtypeStruct((NPAD, PROW), jnp.int32),
    ),
    compiler_params=pltpu.CompilerParams(
        fuse_transposed_lhs_in_matmul=True),
)


def _sc_body(m_hbm, pr_hbm, score_hbm, keep_hbm, m_sh, m_v, pr_v, sc_v, kp_v):
    sid = lax.axis_index("s")
    wid = sid * 2 + lax.axis_index("c")

    @pl.when(sid == 0)
    def _():
        pltpu.sync_copy(m_hbm, m_sh)
    pltpu.sync_copy(pr_hbm.at[pl.ds(wid * (BPT * PROW), BPT * PROW)], pr_v)
    plsc.subcore_barrier()
    pltpu.sync_copy(m_sh, m_v)

    lane = lax.iota(jnp.int32, L)
    lanef = lane.astype(jnp.float32)

    for g in range(BPT // L):
        def box_body(i, carry):
            score_vec, keep_vec = carry
            b = (g * L + i) * PROW
            x0 = pr_v[pl.ds(b + 0 * L, L)]
            x1 = pr_v[pl.ds(b + 1 * L, L)]
            y0 = pr_v[pl.ds(b + 2 * L, L)]
            wx0 = pr_v[pl.ds(b + 3 * L, L)]
            wcw = pr_v[pl.ds(b + 4 * L, L)]
            ar = pr_v[pl.ds(b + 5 * L, L)]
            iw = plsc.bitcast(pr_v[pl.ds(b + 6 * L, L)], jnp.float32)
            area_s = ar[0]

            def cond(c):
                return c[0] < area_s

            def body(c):
                base, ki, kf, acc = c
                vals = []
                for u in range(UNROLL):
                    kiu = ki + (u * L)
                    kfu = kf + float(u * L)
                    q = ((kfu + 0.5) * iw).astype(jnp.int32)
                    r = kiu - q * wcw
                    wd = wx0 + r
                    hh = jnp.minimum(y0 + q, OUT_H - 1)
                    word = plsc.load_gather(m_v, [(hh << 7) + wd])
                    lof = lax.bitcast_convert_type(word << 16, jnp.float32)
                    hif = lax.bitcast_convert_type(
                        word & jnp.int32(-65536), jnp.float32)
                    wd2 = wd << 1
                    v = jnp.maximum(jnp.where(wd2 >= x0, lof, -1.0),
                                    jnp.where(wd2 < x1, hif, -1.0))
                    vals.append(jnp.where(kiu < ar, v, -1.0))
                step = vals[0]
                for v in vals[1:]:
                    step = jnp.maximum(step, v)
                return (base + L * UNROLL, ki + L * UNROLL,
                        kf + float(L * UNROLL), jnp.maximum(acc, step))

            init = (jnp.int32(0), lane, lanef,
                    jnp.full((L,), -1.0, jnp.float32))
            _, _, _, acc = lax.while_loop(cond, body, init)

            mx = lax.sort(acc)[L - 1]
            sel = lane == i
            score_vec = jnp.where(sel, jnp.maximum(mx, 0.0), score_vec)
            keep_vec = jnp.where(sel & (mx > -0.5),
                                 jnp.float32(1.0), keep_vec)
            return score_vec, keep_vec

        score_vec, keep_vec = lax.fori_loop(
            0, L, box_body,
            (jnp.zeros((L,), jnp.float32), jnp.zeros((L,), jnp.float32)))
        sc_v[pl.ds(g * L, L)] = score_vec
        kp_v[pl.ds(g * L, L)] = keep_vec

    pltpu.sync_copy(sc_v, score_hbm.at[pl.ds(wid * BPT, BPT)])
    pltpu.sync_copy(kp_v, keep_hbm.at[pl.ds(wid * BPT, BPT)])


_sc_call = functools.partial(
    pl.kernel,
    out_type=(
        jax.ShapeDtypeStruct((NPAD,), jnp.float32),
        jax.ShapeDtypeStruct((NPAD,), jnp.float32),
    ),
    mesh=plsc.VectorSubcoreMesh(core_axis_name="c", subcore_axis_name="s",
                                num_cores=2, num_subcores=16),
    compiler_params=pltpu.CompilerParams(needs_layout_passes=False),
    scratch_types=[
        pltpu.VMEM_SHARED((OUT_H * WP,), jnp.int32),
        pltpu.VMEM((OUT_H * WP,), jnp.int32),
        pltpu.VMEM((BPT * PROW,), jnp.int32),
        pltpu.VMEM((BPT,), jnp.float32),
        pltpu.VMEM((BPT,), jnp.float32),
    ],
)(_sc_body)


@jax.jit
def kernel(input0, raw_bboxes, bboxes):
    mp, params = _tc_call(input0, bboxes)
    scores, keeps = _sc_call(mp.reshape(-1), params.reshape(-1))
    return scores[:N_BOXES], keeps[:N_BOXES] > 0.5

# --- scband reference (transcript-rebuilt; emitter-appended) ---
"""Pipeline reference for scband-get-box-info-list-for-one-image-23828478558288 (READ-ONLY COPY).

The authoritative reference and input builder live on the scoring server;
editing this copy changes nothing except your own understanding.
"""

import jax, jax.numpy as jnp
import numpy as np

IMAGE_SIZE = (512.0, 512.0)
STRIDE = 2.0
OUT_W = 256
OUT_H = 256
N_BOXES = 1000


def setup_inputs(seed: int = 0):
    key = jax.random.key(seed)
    k1, k2, k3 = jax.random.split(key, 3)
    # conf map: float32[1, 256, 256], randn
    input0 = jax.random.normal(k1, (1, OUT_H, OUT_W), dtype=jnp.float32)
    # bboxes: float32[1000, 4] built from uniform fill, mapped to valid xyxy coords in the image
    base = jax.random.uniform(k2, (N_BOXES, 4), dtype=jnp.float32)
    x1 = base[:, 0] * 440.0
    y1 = base[:, 1] * 440.0
    x2 = jnp.clip(x1 + base[:, 2] * 64.0 + 2.0, 0.0, 511.0)
    y2 = jnp.clip(y1 + base[:, 3] * 64.0 + 2.0, 0.0, 511.0)
    bboxes = jnp.stack([x1, y1, x2, y2], axis=1)
    cls = jnp.floor(jax.random.uniform(k3, (N_BOXES,), dtype=jnp.float32) * 80.0)
    raw_bboxes = jnp.concatenate([bboxes, cls[:, None]], axis=1)
    return {"input0": input0, "raw_bboxes": raw_bboxes, "bboxes": bboxes}


def reference(input0, raw_bboxes, bboxes):
    # predict_CONF = sigmoid(input[0]).squeeze()
    pc = jax.nn.sigmoid(input0).reshape(OUT_H, OUT_W)

    # __get_boxes_info: xyxy -> cxcywh (torch code mutates in place; we do it functionally)
    w = bboxes[:, 2] - bboxes[:, 0]
    h = bboxes[:, 3] - bboxes[:, 1]
    cx = bboxes[:, 0] + w / 2.0
    cy = bboxes[:, 1] + h / 2.0
    valid = (w * h) != 0.0  # boxes with zero area are skipped

    # reference point grid: j*(img_w/out_w) + (img_w/out_w)/2 = j*stride + stride/2
    xs = jnp.arange(OUT_W, dtype=jnp.float32) * STRIDE + STRIDE / 2.0  # [W]
    ys = jnp.arange(OUT_H, dtype=jnp.float32) * STRIDE + STRIDE / 2.0  # [H]

    # is_point_in_bbox (the min/max index window in the torch code always contains
    # every in-image grid point inside the bbox, so full-grid containment is exact)
    in_x = (xs[None, :] >= (cx - w / 2.0)[:, None]) & (xs[None, :] <= (cx + w / 2.0)[:, None])  # [N, W]
    in_y = (ys[None, :] >= (cy - h / 2.0)[:, None]) & (ys[None, :] <= (cy + h / 2.0)[:, None])  # [N, H]
    contain = in_y[:, :, None] & in_x[:, None, :]  # [N, H, W]
    contain = contain & valid[:, None, None]

    # sequential box_ids_map semantics: a point owned by exactly one valid box keeps
    # that box_id; any point claimed by >= 2 boxes ends up as -1
    count = jnp.sum(contain.astype(jnp.int32), axis=0)  # [H, W]
    # positive_points_map per box: contained AND uniquely owned
    pos_map = contain & (count[None, :, :] == 1)  # [N, H, W]

    # boxes whose True_False_map has no True are removed from box_info_list
    keep = valid & jnp.any(pos_map, axis=(1, 2))  # [N]

    # post_score = max(predict_CONF * positive_points_map) per box
    post_scores = jnp.max(pc[None, :, :] * pos_map.astype(pc.dtype), axis=(1, 2))  # [N]
    post_scores = jnp.where(keep, post_scores, 0.0)

    return post_scores, keep

if __name__ == "__main__":
    import jax
    _d = setup_inputs()
    print(jax.jit(kernel)(*tuple(_d.values())))

</pallas_src>

<mosaic_0001>
#map = affine_map<(d0, d1) -> (0)>
module attributes {stable_mosaic.version = 14 : i64} {
  func.func @_sc_body(%arg0: i32, %arg1: i32, %arg2: memref<32768xi32, #tpu.memory_space<hbm>>, %arg3: memref<131072xi32, #tpu.memory_space<hbm>>, %arg4: memref<1024xf32, #tpu.memory_space<hbm>>, %arg5: memref<1024xf32, #tpu.memory_space<hbm>>, %arg6: memref<32768xi32, #tpu.memory_space<vmem_shared>>, %arg7: memref<32768xi32, #tpu.memory_space<vmem>>, %arg8: memref<4096xi32, #tpu.memory_space<vmem>>, %arg9: memref<32xf32, #tpu.memory_space<vmem>>, %arg10: memref<32xf32, #tpu.memory_space<vmem>>) attributes {dimension_semantics = [#tpu.dimension_semantics<core_parallel>, #tpu.dimension_semantics<subcore_parallel>], iteration_bounds = array<i64: 2, 16>, scalar_prefetch = 0 : i64, scratch_operands = 5 : i64, tpu.core_type = #tpu.core_type<sc_vector_subcore>, window_params = [{transform_indices = #map}, {transform_indices = #map}, {transform_indices = #map}, {transform_indices = #map}]} {
    %mul3A = arith.constant 2 : i32
    %mul3A_0 = arith.muli %arg1, %mul3A : i32
    %add3A = arith.addi %mul3A_0, %arg0 : i32
    %eq3A = arith.constant 0 : i32
    %eq3A_1 = arith.cmpi eq, %arg1, %eq3A : i32
    %convert_element_type3A = arith.extui %eq3A_1 : i1 to i32
    %cond3A = arith.constant 0 : i32
    %cond3A_2 = arith.cmpi ne, %convert_element_type3A, %cond3A : i32
    scf.if %cond3A_2 {
      "tpu.region"() ({
        %run_scoped3A = tpu.sem_alloc : memref<!tpu.dma_semaphore, #tpu.memory_space<semaphore_mem>>
        tpu.enqueue_dma source(%arg2 : memref<32768xi32, #tpu.memory_space<hbm>>) target(%arg6 : memref<32768xi32, #tpu.memory_space<vmem_shared>>) target_semaphore(%run_scoped3A : memref<!tpu.dma_semaphore, #tpu.memory_space<semaphore_mem>>)
        tpu.wait_dma2 semaphore(%run_scoped3A : memref<!tpu.dma_semaphore, #tpu.memory_space<semaphore_mem>>) src(%arg2 : memref<32768xi32, #tpu.memory_space<hbm>>) dst(%arg6 : memref<32768xi32, #tpu.memory_space<vmem_shared>>)
        tpu.yield
      }) : () -> ()
    } else {
    }
    %mul3A_3 = arith.constant 4096 : i32
    %mul3A_4 = arith.muli %add3A, %mul3A_3 : i32
    "tpu.region"() ({
      %run_scoped3A = tpu.sem_alloc : memref<!tpu.dma_semaphore, #tpu.memory_space<semaphore_mem>>
      %dma_start3A = tpu.memref_slice %arg3[%mul3A_4] : memref<131072xi32, #tpu.memory_space<hbm>> -> memref<4096xi32, #tpu.memory_space<hbm>>
      %dma_start3A_35 = tpu.memref_slice %arg3[%mul3A_4] : memref<131072xi32, #tpu.memory_space<hbm>> -> memref<4096xi32, #tpu.memory_space<hbm>>
      tpu.enqueue_dma source(%dma_start3A_35 : memref<4096xi32, #tpu.memory_space<hbm>>) target(%arg8 : memref<4096xi32, #tpu.memory_space<vmem>>) target_semaphore(%run_scoped3A : memref<!tpu.dma_semaphore, #tpu.memory_space<semaphore_mem>>)
      %dma_wait3A = tpu.memref_slice %arg3[%mul3A_4] : memref<131072xi32, #tpu.memory_space<hbm>> -> memref<4096xi32, #tpu.memory_space<hbm>>
      %dma_wait3A_36 = tpu.memref_slice %arg3[%mul3A_4] : memref<131072xi32, #tpu.memory_space<hbm>> -> memref<4096xi32, #tpu.memory_space<hbm>>
      tpu.wait_dma2 semaphore(%run_scoped3A : memref<!tpu.dma_semaphore, #tpu.memory_space<semaphore_mem>>) src(%dma_wait3A_36 : memref<4096xi32, #tpu.memory_space<hbm>>) dst(%arg8 : memref<4096xi32, #tpu.memory_space<vmem>>)
      tpu.yield
    }) : () -> ()
    %barrier3A = arith.constant 0 : index
    tpu.barrier barrier_id(%barrier3A)
    "tpu.region"() ({
      %run_scoped3A = tpu.sem_alloc : memref<!tpu.dma_semaphore, #tpu.memory_space<semaphore_mem>>
      tpu.enqueue_dma source(%arg6 : memref<32768xi32, #tpu.memory_space<vmem_shared>>) target(%arg7 : memref<32768xi32, #tpu.memory_space<vmem>>) target_semaphore(%run_scoped3A : memref<!tpu.dma_semaphore, #tpu.memory_space<semaphore_mem>>)
      tpu.wait_dma2 semaphore(%run_scoped3A : memref<!tpu.dma_semaphore, #tpu.memory_space<semaphore_mem>>) src(%arg6 : memref<32768xi32, #tpu.memory_space<vmem_shared>>) dst(%arg7 : memref<32768xi32, #tpu.memory_space<vmem>>)
      tpu.yield
    }) : () -> ()
    %iota3A = tpu.iota {dimensions = array<i32: 0>} : vector<16xi32>
    %convert_element_type3A_5 = arith.sitofp %iota3A : vector<16xi32> to vector<16xf32>
    %broadcast_in_dim3A = arith.constant 0.000000e+00 : f32
    %broadcast_in_dim3A_6 = vector.broadcast %broadcast_in_dim3A : f32 to vector<16xf32>
    %broadcast_in_dim3A_7 = arith.constant 0.000000e+00 : f32
    %broadcast_in_dim3A_8 = vector.broadcast %broadcast_in_dim3A_7 : f32 to vector<16xf32>
    %scan3A = arith.constant 0 : i32
    %scan3A_9 = arith.constant 16 : i32
    %scan3A_10 = arith.addi %scan3A, %scan3A_9 : i32
    %scan3A_11 = arith.constant 1 : i32
    %scan3A_12:2 = scf.for %scan3A_35 = %scan3A to %scan3A_10 step %scan3A_11 iter_args(%scan3A_36 = %broadcast_in_dim3A_6, %scan3A_37 = %broadcast_in_dim3A_8) -> (vector<16xf32>, vector<16xf32>)  : i32 {
      %add3A_38 = arith.constant 0 : i32
      %add3A_39 = arith.addi %add3A_38, %scan3A_35 : i32
      %mul3A_40 = arith.constant 128 : i32
      %mul3A_41 = arith.muli %add3A_39, %mul3A_40 : i32
      %add3A_42 = arith.constant 0 : i32
      %add3A_43 = arith.addi %mul3A_41, %add3A_42 : i32
      %get3A = arith.index_cast %add3A_43 : i32 to index
      %get3A_44 = tpu.vector_load %arg8[%get3A] {strides = array<i32>} : memref<4096xi32, #tpu.memory_space<vmem>>, vector<16xi32>,
      %add3A_45 = arith.constant 16 : i32
      %add3A_46 = arith.addi %mul3A_41, %add3A_45 : i32
      %get3A_47 = arith.index_cast %add3A_46 : i32 to index
      %get3A_48 = tpu.vector_load %arg8[%get3A_47] {strides = array<i32>} : memref<4096xi32, #tpu.memory_space<vmem>>, vector<16xi32>,
      %add3A_49 = arith.constant 32 : i32
      %add3A_50 = arith.addi %mul3A_41, %add3A_49 : i32
      %get3A_51 = arith.index_cast %add3A_50 : i32 to index
      %get3A_52 = tpu.vector_load %arg8[%get3A_51] {strides = array<i32>} : memref<4096xi32, #tpu.memory_space<vmem>>, vector<16xi32>,
      %add3A_53 = arith.constant 48 : i32
      %add3A_54 = arith.addi %mul3A_41, %add3A_53 : i32
      %get3A_55 = arith.index_cast %add3A_54 : i32 to index
      %get3A_56 = tpu.vector_load %arg8[%get3A_55] {strides = array<i32>} : memref<4096xi32, #tpu.memory_space<vmem>>, vector<16xi32>,
      %add3A_57 = arith.constant 64 : i32
      %add3A_58 = arith.addi %mul3A_41, %add3A_57 : i32
      %get3A_59 = arith.index_cast %add3A_58 : i32 to index
      %get3A_60 = tpu.vector_load %arg8[%get3A_59] {strides = array<i32>} : memref<4096xi32, #tpu.memory_space<vmem>>, vector<16xi32>,
      %add3A_61 = arith.constant 80 : i32
      %add3A_62 = arith.addi %mul3A_41, %add3A_61 : i32
      %get3A_63 = arith.index_cast %add3A_62 : i32 to index
      %get3A_64 = tpu.vector_load %arg8[%get3A_63] {strides = array<i32>} : memref<4096xi32, #tpu.memory_space<vmem>>, vector<16xi32>,
      %add3A_65 = arith.constant 96 : i32
      %add3A_66 = arith.addi %mul3A_41, %add3A_65 : i32
      %get3A_67 = arith.index_cast %add3A_66 : i32 to index
      %get3A_68 = tpu.vector_load %arg8[%get3A_67] {strides = array<i32>} : memref<4096xi32, #tpu.memory_space<vmem>>, vector<16xi32>,
      %bitcast3A = vector.bitcast %get3A_68 : vector<16xi32> to vector<16xf32>
      %slice3A = vector.extract_strided_slice %get3A_64 {offsets = [0], sizes = [1], strides = [1]} : vector<16xi32> to vector<1xi32>
      %squeeze3A = vector.extract %slice3A[0] : i32 from vector<1xi32>
      %broadcast_in_dim3A_69 = arith.constant -1.000000e+00 : f32
      %broadcast_in_dim3A_70 = vector.broadcast %broadcast_in_dim3A_69 : f32 to vector<16xf32>
      %while3A = arith.constant 0 : i32
      %while3A_71:4 = scf.while (%while3A_85 = %while3A, %while3A_86 = %iota3A, %while3A_87 = %convert_element_type3A_5, %while3A_88 = %broadcast_in_dim3A_70) : (i32, vector<16xi32>, vector<16xf32>, vector<16xf32>) -> (i32, vector<16xi32>, vector<16xf32>, vector<16xf32>) {
        %lt3A = arith.cmpi slt, %while3A_85, %squeeze3A : i32
        scf.condition(%lt3A) %while3A_85, %while3A_86, %while3A_87, %while3A_88 : i32, vector<16xi32>, vector<16xf32>, vector<16xf32>
      } do {
      ^bb0(%while3A_85: i32, %while3A_86: vector<16xi32>, %while3A_87: vector<16xf32>, %while3A_88: vector<16xf32>):
        %add3A_89 = arith.constant 0 : i32
        %add3A_90 = vector.broadcast %add3A_89 : i32 to vector<16xi32>
        %add3A_91 = arith.addi %while3A_86, %add3A_90 : vector<16xi32>
        %add3A_92 = arith.constant 0.000000e+00 : f32
        %add3A_93 = vector.broadcast %add3A_92 : f32 to vector<16xf32>
        %add3A_94 = arith.addf %while3A_87, %add3A_93 : vector<16xf32>
        %add3A_95 = arith.constant 5.000000e-01 : f32
        %add3A_96 = vector.broadcast %add3A_95 : f32 to vector<16xf32>
        %add3A_97 = arith.addf %add3A_94, %add3A_96 : vector<16xf32>
        %mul3A_98 = arith.mulf %add3A_97, %bitcast3A : vector<16xf32>
        %convert_element_type3A_99 = arith.fptosi %mul3A_98 : vector<16xf32> to vector<16xi32>
        %mul3A_100 = arith.muli %convert_element_type3A_99, %get3A_60 : vector<16xi32>
        %sub3A = arith.subi %add3A_91, %mul3A_100 : vector<16xi32>
        %add3A_101 = arith.addi %get3A_56, %sub3A : vector<16xi32>
        %add3A_102 = arith.addi %get3A_52, %convert_element_type3A_99 : vector<16xi32>
        %min3A = arith.constant 255 : i32
        %min3A_103 = vector.broadcast %min3A : i32 to vector<16xi32>
        %min3A_104 = arith.minsi %add3A_102, %min3A_103 : vector<16xi32>
        %shift_left3A = arith.constant 7 : i32
        %shift_left3A_105 = vector.broadcast %shift_left3A : i32 to vector<16xi32>
        %shift_left3A_106 = arith.shli %min3A_104, %shift_left3A_105 : vector<16xi32>
        %add3A_107 = arith.addi %shift_left3A_106, %add3A_101 : vector<16xi32>
        %gather3A = tpu.vector_load_idx %arg7[%add3A_107] : memref<32768xi32, #tpu.memory_space<vmem>>[vector<16xi32>], vector<16xi32>,
        %shift_left3A_108 = arith.constant 16 : i32
        %shift_left3A_109 = vector.broadcast %shift_left3A_108 : i32 to vector<16xi32>
        %shift_left3A_110 = arith.shli %gather3A, %shift_left3A_109 : vector<16xi32>
        %bitcast_convert_type3A = tpu.bitcast %shift_left3A_110 : vector<16xi32> -> vector<16xf32>
        %and3A_111 = arith.constant -65536 : i32
        %and3A_112 = vector.broadcast %and3A_111 : i32 to vector<16xi32>
        %and3A_113 = arith.andi %gather3A, %and3A_112 : vector<16xi32>
        %bitcast_convert_type3A_114 = tpu.bitcast %and3A_113 : vector<16xi32> -> vector<16xf32>
        %shift_left3A_115 = arith.constant 1 : i32
        %shift_left3A_116 = vector.broadcast %shift_left3A_115 : i32 to vector<16xi32>
        %shift_left3A_117 = arith.shli %add3A_101, %shift_left3A_116 : vector<16xi32>
        %ge3A = arith.cmpi sge, %shift_left3A_117, %get3A_44 : vector<16xi32>
        %jit3A_118 = arith.constant -1.000000e+00 : f32
        %broadcast_in_dim3A_119 = vector.broadcast %jit3A_118 : f32 to vector<16xf32>
        %select_n3A_120 = arith.select %ge3A, %bitcast_convert_type3A, %broadcast_in_dim3A_119 : vector<16xi1>, vector<16xf32>
        %lt3A = arith.cmpi slt, %shift_left3A_117, %get3A_48 : vector<16xi32>
        %jit3A_121 = arith.constant -1.000000e+00 : f32
        %broadcast_in_dim3A_122 = vector.broadcast %jit3A_121 : f32 to vector<16xf32>
        %select_n3A_123 = arith.select %lt3A, %bitcast_convert_type3A_114, %broadcast_in_dim3A_122 : vector<16xi1>, vector<16xf32>
        %max3A_124 = arith.maximumf %select_n3A_120, %select_n3A_123 : vector<16xf32>
        %lt3A_125 = arith.cmpi slt, %add3A_91, %get3A_64 : vector<16xi32>
        %jit3A_126 = arith.constant -1.000000e+00 : f32
        %broadcast_in_dim3A_127 = vector.broadcast %jit3A_126 : f32 to vector<16xf32>
        %select_n3A_128 = arith.select %lt3A_125, %max3A_124, %broadcast_in_dim3A_127 : vector<16xi1>, vector<16xf32>
        %add3A_129 = arith.constant 16 : i32
        %add3A_130 = vector.broadcast %add3A_129 : i32 to vector<16xi32>
        %add3A_131 = arith.addi %while3A_86, %add3A_130 : vector<16xi32>
        %add3A_132 = arith.constant 1.600000e+01 : f32
        %add3A_133 = vector.broadcast %add3A_132 : f32 to vector<16xf32>
        %add3A_134 = arith.addf %while3A_87, %add3A_133 : vector<16xf32>
        %add3A_135 = arith.constant 5.000000e-01 : f32
        %add3A_136 = vector.broadcast %add3A_135 : f32 to vector<16xf32>
        %add3A_137 = arith.addf %add3A_134, %add3A_136 : vector<16xf32>
        %mul3A_138 = arith.mulf %add3A_137, %bitcast3A : vector<16xf32>
        %convert_element_type3A_139 = arith.fptosi %mul3A_138 : vector<16xf32> to vector<16xi32>
        %mul3A_140 = arith.muli %convert_element_type3A_139, %get3A_60 : vector<16xi32>
        %sub3A_141 = arith.subi %add3A_131, %mul3A_140 : vector<16xi32>
        %add3A_142 = arith.addi %get3A_56, %sub3A_141 : vector<16xi32>
        %add3A_143 = arith.addi %get3A_52, %convert_element_type3A_139 : vector<16xi32>
        %min3A_144 = arith.constant 255 : i32
        %min3A_145 = vector.broadcast %min3A_144 : i32 to vector<16xi32>
        %min3A_146 = arith.minsi %add3A_143, %min3A_145 : vector<16xi32>
        %shift_left3A_147 = arith.constant 7 : i32
        %shift_left3A_148 = vector.broadcast %shift_left3A_147 : i32 to vector<16xi32>
        %shift_left3A_149 = arith.shli %min3A_146, %shift_left3A_148 : vector<16xi32>
        %add3A_150 = arith.addi %shift_left3A_149, %add3A_142 : vector<16xi32>
        %gather3A_151 = tpu.vector_load_idx %arg7[%add3A_150] : memref<32768xi32, #tpu.memory_space<vmem>>[vector<16xi32>], vector<16xi32>,
        %shift_left3A_152 = arith.constant 16 : i32
        %shift_left3A_153 = vector.broadcast %shift_left3A_152 : i32 to vector<16xi32>
        %shift_left3A_154 = arith.shli %gather3A_151, %shift_left3A_153 : vector<16xi32>
        %bitcast_convert_type3A_155 = tpu.bitcast %shift_left3A_154 : vector<16xi32> -> vector<16xf32>
        %and3A_156 = arith.constant -65536 : i32
        %and3A_157 = vector.broadcast %and3A_156 : i32 to vector<16xi32>
        %and3A_158 = arith.andi %gather3A_151, %and3A_157 : vector<16xi32>
        %bitcast_convert_type3A_159 = tpu.bitcast %and3A_158 : vector<16xi32> -> vector<16xf32>
        %shift_left3A_160 = arith.constant 1 : i32
        %shift_left3A_161 = vector.broadcast %shift_left3A_160 : i32 to vector<16xi32>
        %shift_left3A_162 = arith.shli %add3A_142, %shift_left3A_161 : vector<16xi32>
        %ge3A_163 = arith.cmpi sge, %shift_left3A_162, %get3A_44 : vector<16xi32>
        %jit3A_164 = arith.constant -1.000000e+00 : f32
        %broadcast_in_dim3A_165 = vector.broadcast %jit3A_164 : f32 to vector<16xf32>
        %select_n3A_166 = arith.select %ge3A_163, %bitcast_convert_type3A_155, %broadcast_in_dim3A_165 : vector<16xi1>, vector<16xf32>
        %lt3A_167 = arith.cmpi slt, %shift_left3A_162, %get3A_48 : vector<16xi32>
        %jit3A_168 = arith.constant -1.000000e+00 : f32
        %broadcast_in_dim3A_169 = vector.broadcast %jit3A_168 : f32 to vector<16xf32>
        %select_n3A_170 = arith.select %lt3A_167, %bitcast_convert_type3A_159, %broadcast_in_dim3A_169 : vector<16xi1>, vector<16xf32>
        %max3A_171 = arith.maximumf %select_n3A_166, %select_n3A_170 : vector<16xf32>
        %lt3A_172 = arith.cmpi slt, %add3A_131, %get3A_64 : vector<16xi32>
        %jit3A_173 = arith.constant -1.000000e+00 : f32
        %broadcast_in_dim3A_174 = vector.broadcast %jit3A_173 : f32 to vector<16xf32>
        %select_n3A_175 = arith.select %lt3A_172, %max3A_171, %broadcast_in_dim3A_174 : vector<16xi1>, vector<16xf32>
        %max3A_176 = arith.maximumf %select_n3A_128, %select_n3A_175 : vector<16xf32>
        %add3A_177 = arith.constant 32 : i32
        %add3A_178 = arith.addi %while3A_85, %add3A_177 : i32
        %add3A_179 = arith.constant 32 : i32
        %add3A_180 = vector.broadcast %add3A_179 : i32 to vector<16xi32>
        %add3A_181 = arith.addi %while3A_86, %add3A_180 : vector<16xi32>
        %add3A_182 = arith.constant 3.200000e+01 : f32
        %add3A_183 = vector.broadcast %add3A_182 : f32 to vector<16xf32>
        %add3A_184 = arith.addf %while3A_87, %add3A_183 : vector<16xf32>
        %max3A_185 = arith.maximumf %while3A_88, %max3A_176 : vector<16xf32>
        scf.yield %add3A_178, %add3A_181, %add3A_184, %max3A_185 : i32, vector<16xi32>, vector<16xf32>, vector<16xf32>
      }
      %sort3A = arith.constant dense<true> : vector<16xi1>
      %sort3A_72, %sort3A_73, %sort3A_74 = tpu.sort %while3A_71#3, %while3A_71#3 masked %sort3A : (vector<16xf32>, vector<16xf32>, vector<16xi1>) -> (vector<16xi1>, vector<16xf32>, vector<16xf32>)
      %slice3A_75 = vector.extract_strided_slice %sort3A_73 {offsets = [15], sizes = [1], strides = [1]} : vector<16xf32> to vector<1xf32>
      %squeeze3A_76 = vector.extract %slice3A_75[0] : f32 from vector<1xf32>
      %eq3A_77 = vector.broadcast %scan3A_35 : i32 to vector<16xi32>
      %eq3A_78 = arith.cmpi eq, %iota3A, %eq3A_77 : vector<16xi32>
      %max3A = arith.constant 0.000000e+00 : f32
      %max3A_79 = arith.maximumf %squeeze3A_76, %max3A : f32
      %broadcast_in_dim3A_80 = vector.broadcast %max3A_79 : f32 to vector<16xf32>
      %select_n3A = arith.select %eq3A_78, %broadcast_in_dim3A_80, %scan3A_36 : vector<16xi1>, vector<16xf32>
      %gt3A = arith.constant -5.000000e-01 : f32
      %gt3A_81 = arith.cmpf ogt, %squeeze3A_76, %gt3A : f32
      %and3A = vector.broadcast %gt3A_81 : i1 to vector<16xi1>
      %and3A_82 = arith.andi %eq3A_78, %and3A : vector<16xi1>
      %jit3A = arith.constant 1.000000e+00 : f32
      %broadcast_in_dim3A_83 = vector.broadcast %jit3A : f32 to vector<16xf32>
      %select_n3A_84 = arith.select %and3A_82, %broadcast_in_dim3A_83, %scan3A_37 : vector<16xi1>, vector<16xf32>
      scf.yield %select_n3A, %select_n3A_84 : vector<16xf32>, vector<16xf32>
    }
    %scan3A_13 = arith.constant 16 : i32
    %swap3A = arith.constant 0 : index
    %swap3A_14 = tpu.vector_load %arg9[%swap3A] {strides = array<i32>} : memref<32xf32, #tpu.memory_space<vmem>>, vector<16xf32>,
    tpu.vector_store %arg9[%swap3A], %scan3A_12#0 {strides = array<i32>} : memref<32xf32, #tpu.memory_space<vmem>>, vector<16xf32>,
    %swap3A_15 = arith.constant 0 : index
    %swap3A_16 = tpu.vector_load %arg10[%swap3A_15] {strides = array<i32>} : memref<32xf32, #tpu.memory_space<vmem>>, vector<16xf32>,
    tpu.vector_store %arg10[%swap3A_15], %scan3A_12#1 {strides = array<i32>} : memref<32xf32, #tpu.memory_space<vmem>>, vector<16xf32>,
    %broadcast_in_dim3A_17 = arith.constant 0.000000e+00 : f32
    %broadcast_in_dim3A_18 = vector.broadcast %broadcast_in_dim3A_17 : f32 to vector<16xf32>
    %broadcast_in_dim3A_19 = arith.constant 0.000000e+00 : f32
    %broadcast_in_dim3A_20 = vector.broadcast %broadcast_in_dim3A_19 : f32 to vector<16xf32>
    %scan3A_21 = arith.constant 0 : i32
    %scan3A_22 = arith.constant 16 : i32
    %scan3A_23 = arith.addi %scan3A_21, %scan3A_22 : i32
    %scan3A_24 = arith.constant 1 : i32
    %scan3A_25:2 = scf.for %scan3A_35 = %scan3A_21 to %scan3A_23 step %scan3A_24 iter_args(%scan3A_36 = %broadcast_in_dim3A_18, %scan3A_37 = %broadcast_in_dim3A_20) -> (vector<16xf32>, vector<16xf32>)  : i32 {
      %add3A_38 = arith.constant 16 : i32
      %add3A_39 = arith.addi %add3A_38, %scan3A_35 : i32
      %mul3A_40 = arith.constant 128 : i32
      %mul3A_41 = arith.muli %add3A_39, %mul3A_40 : i32
      %add3A_42 = arith.constant 0 : i32
      %add3A_43 = arith.addi %mul3A_41, %add3A_42 : i32
      %get3A = arith.index_cast %add3A_43 : i32 to index
      %get3A_44 = tpu.vector_load %arg8[%get3A] {strides = array<i32>} : memref<4096xi32, #tpu.memory_space<vmem>>, vector<16xi32>,
      %add3A_45 = arith.constant 16 : i32
      %add3A_46 = arith.addi %mul3A_41, %add3A_45 : i32
      %get3A_47 = arith.index_cast %add3A_46 : i32 to index
      %get3A_48 = tpu.vector_load %arg8[%get3A_47] {strides = array<i32>} : memref<4096xi32, #tpu.memory_space<vmem>>, vector<16xi32>,
      %add3A_49 = arith.constant 32 : i32
      %add3A_50 = arith.addi %mul3A_41, %add3A_49 : i32
      %get3A_51 = arith.index_cast %add3A_50 : i32 to index
      %get3A_52 = tpu.vector_load %arg8[%get3A_51] {strides = array<i32>} : memref<4096xi32, #tpu.memory_space<vmem>>, vector<16xi32>,
      %add3A_53 = arith.constant 48 : i32
      %add3A_54 = arith.addi %mul3A_41, %add3A_53 : i32
      %get3A_55 = arith.index_cast %add3A_54 : i32 to index
      %get3A_56 = tpu.vector_load %arg8[%get3A_55] {strides = array<i32>} : memref<4096xi32, #tpu.memory_space<vmem>>, vector<16xi32>,
      %add3A_57 = arith.constant 64 : i32
      %add3A_58 = arith.addi %mul3A_41, %add3A_57 : i32
      %get3A_59 = arith.index_cast %add3A_58 : i32 to index
      %get3A_60 = tpu.vector_load %arg8[%get3A_59] {strides = array<i32>} : memref<4096xi32, #tpu.memory_space<vmem>>, vector<16xi32>,
      %add3A_61 = arith.constant 80 : i32
      %add3A_62 = arith.addi %mul3A_41, %add3A_61 : i32
      %get3A_63 = arith.index_cast %add3A_62 : i32 to index
      %get3A_64 = tpu.vector_load %arg8[%get3A_63] {strides = array<i32>} : memref<4096xi32, #tpu.memory_space<vmem>>, vector<16xi32>,
      %add3A_65 = arith.constant 96 : i32
      %add3A_66 = arith.addi %mul3A_41, %add3A_65 : i32
      %get3A_67 = arith.index_cast %add3A_66 : i32 to index
      %get3A_68 = tpu.vector_load %arg8[%get3A_67] {strides = array<i32>} : memref<4096xi32, #tpu.memory_space<vmem>>, vector<16xi32>,
      %bitcast3A = vector.bitcast %get3A_68 : vector<16xi32> to vector<16xf32>
      %slice3A = vector.extract_strided_slice %get3A_64 {offsets = [0], sizes = [1], strides = [1]} : vector<16xi32> to vector<1xi32>
      %squeeze3A = vector.extract %slice3A[0] : i32 from vector<1xi32>
      %broadcast_in_dim3A_69 = arith.constant -1.000000e+00 : f32
      %broadcast_in_dim3A_70 = vector.broadcast %broadcast_in_dim3A_69 : f32 to vector<16xf32>
      %while3A = arith.constant 0 : i32
      %while3A_71:4 = scf.while (%while3A_85 = %while3A, %while3A_86 = %iota3A, %while3A_87 = %convert_element_type3A_5, %while3A_88 = %broadcast_in_dim3A_70) : (i32, vector<16xi32>, vector<16xf32>, vector<16xf32>) -> (i32, vector<16xi32>, vector<16xf32>, vector<16xf32>) {
        %lt3A = arith.cmpi slt, %while3A_85, %squeeze3A : i32
        scf.condition(%lt3A) %while3A_85, %while3A_86, %while3A_87, %while3A_88 : i32, vector<16xi32>, vector<16xf32>, vector<16xf32>
      } do {
      ^bb0(%while3A_85: i32, %while3A_86: vector<16xi32>, %while3A_87: vector<16xf32>, %while3A_88: vector<16xf32>):
        %add3A_89 = arith.constant 0 : i32
        %add3A_90 = vector.broadcast %add3A_89 : i32 to vector<16xi32>
        %add3A_91 = arith.addi %while3A_86, %add3A_90 : vector<16xi32>
        %add3A_92 = arith.constant 0.000000e+00 : f32
        %add3A_93 = vector.broadcast %add3A_92 : f32 to vector<16xf32>
        %add3A_94 = arith.addf %while3A_87, %add3A_93 : vector<16xf32>
        %add3A_95 = arith.constant 5.000000e-01 : f32
        %add3A_96 = vector.broadcast %add3A_95 : f32 to vector<16xf32>
        %add3A_97 = arith.addf %add3A_94, %add3A_96 : vector<16xf32>
        %mul3A_98 = arith.mulf %add3A_97, %bitcast3A : vector<16xf32>
        %convert_element_type3A_99 = arith.fptosi %mul3A_98 : vector<16xf32> to vector<16xi32>
        %mul3A_100 = arith.muli %convert_element_type3A_99, %get3A_60 : vector<16xi32>
        %sub3A = arith.subi %add3A_91, %mul3A_100 : vector<16xi32>
        %add3A_101 = arith.addi %get3A_56, %sub3A : vector<16xi32>
        %add3A_102 = arith.addi %get3A_52, %convert_element_type3A_99 : vector<16xi32>
        %min3A = arith.constant 255 : i32
        %min3A_103 = vector.broadcast %min3A : i32 to vector<16xi32>
        %min3A_104 = arith.minsi %add3A_102, %min3A_103 : vector<16xi32>
        %shift_left3A = arith.constant 7 : i32
        %shift_left3A_105 = vector.broadcast %shift_left3A : i32 to vector<16xi32>
        %shift_left3A_106 = arith.shli %min3A_104, %shift_left3A_105 : vector<16xi32>
        %add3A_107 = arith.addi %shift_left3A_106, %add3A_101 : vector<16xi32>
        %gather3A = tpu.vector_load_idx %arg7[%add3A_107] : memref<32768xi32, #tpu.memory_space<vmem>>[vector<16xi32>], vector<16xi32>,
        %shift_left3A_108 = arith.constant 16 : i32
        %shift_left3A_109 = vector.broadcast %shift_left3A_108 : i32 to vector<16xi32>
        %shift_left3A_110 = arith.shli %gather3A, %shift_left3A_109 : vector<16xi32>
        %bitcast_convert_type3A = tpu.bitcast %shift_left3A_110 : vector<16xi32> -> vector<16xf32>
        %and3A_111 = arith.constant -65536 : i32
        %and3A_112 = vector.broadcast %and3A_111 : i32 to vector<16xi32>
        %and3A_113 = arith.andi %gather3A, %and3A_112 : vector<16xi32>
        %bitcast_convert_type3A_114 = tpu.bitcast %and3A_113 : vector<16xi32> -> vector<16xf32>
        %shift_left3A_115 = arith.constant 1 : i32
        %shift_left3A_116 = vector.broadcast %shift_left3A_115 : i32 to vector<16xi32>
        %shift_left3A_117 = arith.shli %add3A_101, %shift_left3A_116 : vector<16xi32>
        %ge3A = arith.cmpi sge, %shift_left3A_117, %get3A_44 : vector<16xi32>
        %jit3A_118 = arith.constant -1.000000e+00 : f32
        %broadcast_in_dim3A_119 = vector.broadcast %jit3A_118 : f32 to vector<16xf32>
        %select_n3A_120 = arith.select %ge3A, %bitcast_convert_type3A, %broadcast_in_dim3A_119 : vector<16xi1>, vector<16xf32>
        %lt3A = arith.cmpi slt, %shift_left3A_117, %get3A_48 : vector<16xi32>
        %jit3A_121 = arith.constant -1.000000e+00 : f32
        %broadcast_in_dim3A_122 = vector.broadcast %jit3A_121 : f32 to vector<16xf32>
        %select_n3A_123 = arith.select %lt3A, %bitcast_convert_type3A_114, %broadcast_in_dim3A_122 : vector<16xi1>, vector<16xf32>
        %max3A_124 = arith.maximumf %select_n3A_120, %select_n3A_123 : vector<16xf32>
        %lt3A_125 = arith.cmpi slt, %add3A_91, %get3A_64 : vector<16xi32>
        %jit3A_126 = arith.constant -1.000000e+00 : f32
        %broadcast_in_dim3A_127 = vector.broadcast %jit3A_126 : f32 to vector<16xf32>
        %select_n3A_128 = arith.select %lt3A_125, %max3A_124, %broadcast_in_dim3A_127 : vector<16xi1>, vector<16xf32>
        %add3A_129 = arith.constant 16 : i32
        %add3A_130 = vector.broadcast %add3A_129 : i32 to vector<16xi32>
        %add3A_131 = arith.addi %while3A_86, %add3A_130 : vector<16xi32>
        %add3A_132 = arith.constant 1.600000e+01 : f32
        %add3A_133 = vector.broadcast %add3A_132 : f32 to vector<16xf32>
        %add3A_134 = arith.addf %while3A_87, %add3A_133 : vector<16xf32>
        %add3A_135 = arith.constant 5.000000e-01 : f32
        %add3A_136 = vector.broadcast %add3A_135 : f32 to vector<16xf32>
        %add3A_137 = arith.addf %add3A_134, %add3A_136 : vector<16xf32>
        %mul3A_138 = arith.mulf %add3A_137, %bitcast3A : vector<16xf32>
        %convert_element_type3A_139 = arith.fptosi %mul3A_138 : vector<16xf32> to vector<16xi32>
        %mul3A_140 = arith.muli %convert_element_type3A_139, %get3A_60 : vector<16xi32>
        %sub3A_141 = arith.subi %add3A_131, %mul3A_140 : vector<16xi32>
        %add3A_142 = arith.addi %get3A_56, %sub3A_141 : vector<16xi32>
        %add3A_143 = arith.addi %get3A_52, %convert_element_type3A_139 : vector<16xi32>
        %min3A_144 = arith.constant 255 : i32
        %min3A_145 = vector.broadcast %min3A_144 : i32 to vector<16xi32>
        %min3A_146 = arith.minsi %add3A_143, %min3A_145 : vector<16xi32>
        %shift_left3A_147 = arith.constant 7 : i32
        %shift_left3A_148 = vector.broadcast %shift_left3A_147 : i32 to vector<16xi32>
        %shift_left3A_149 = arith.shli %min3A_146, %shift_left3A_148 : vector<16xi32>
        %add3A_150 = arith.addi %shift_left3A_149, %add3A_142 : vector<16xi32>
        %gather3A_151 = tpu.vector_load_idx %arg7[%add3A_150] : memref<32768xi32, #tpu.memory_space<vmem>>[vector<16xi32>], vector<16xi32>,
        %shift_left3A_152 = arith.constant 16 : i32
        %shift_left3A_153 = vector.broadcast %shift_left3A_152 : i32 to vector<16xi32>
        %shift_left3A_154 = arith.shli %gather3A_151, %shift_left3A_153 : vector<16xi32>
        %bitcast_convert_type3A_155 = tpu.bitcast %shift_left3A_154 : vector<16xi32> -> vector<16xf32>
        %and3A_156 = arith.constant -65536 : i32
        %and3A_157 = vector.broadcast %and3A_156 : i32 to vector<16xi32>
        %and3A_158 = arith.andi %gather3A_151, %and3A_157 : vector<16xi32>
        %bitcast_convert_type3A_159 = tpu.bitcast %and3A_158 : vector<16xi32> -> vector<16xf32>
        %shift_left3A_160 = arith.constant 1 : i32
        %shift_left3A_161 = vector.broadcast %shift_left3A_160 : i32 to vector<16xi32>
        %shift_left3A_162 = arith.shli %add3A_142, %shift_left3A_161 : vector<16xi32>
        %ge3A_163 = arith.cmpi sge, %shift_left3A_162, %get3A_44 : vector<16xi32>
        %jit3A_164 = arith.constant -1.000000e+00 : f32
        %broadcast_in_dim3A_165 = vector.broadcast %jit3A_164 : f32 to vector<16xf32>
        %select_n3A_166 = arith.select %ge3A_163, %bitcast_convert_type3A_155, %broadcast_in_dim3A_165 : vector<16xi1>, vector<16xf32>
        %lt3A_167 = arith.cmpi slt, %shift_left3A_162, %get3A_48 : vector<16xi32>
        %jit3A_168 = arith.constant -1.000000e+00 : f32
        %broadcast_in_dim3A_169 = vector.broadcast %jit3A_168 : f32 to vector<16xf32>
        %select_n3A_170 = arith.select %lt3A_167, %bitcast_convert_type3A_159, %broadcast_in_dim3A_169 : vector<16xi1>, vector<16xf32>
        %max3A_171 = arith.maximumf %select_n3A_166, %select_n3A_170 : vector<16xf32>
        %lt3A_172 = arith.cmpi slt, %add3A_131, %get3A_64 : vector<16xi32>
        %jit3A_173 = arith.constant -1.000000e+00 : f32
        %broadcast_in_dim3A_174 = vector.broadcast %jit3A_173 : f32 to vector<16xf32>
        %select_n3A_175 = arith.select %lt3A_172, %max3A_171, %broadcast_in_dim3A_174 : vector<16xi1>, vector<16xf32>
        %max3A_176 = arith.maximumf %select_n3A_128, %select_n3A_175 : vector<16xf32>
        %add3A_177 = arith.constant 32 : i32
        %add3A_178 = arith.addi %while3A_85, %add3A_177 : i32
        %add3A_179 = arith.constant 32 : i32
        %add3A_180 = vector.broadcast %add3A_179 : i32 to vector<16xi32>
        %add3A_181 = arith.addi %while3A_86, %add3A_180 : vector<16xi32>
        %add3A_182 = arith.constant 3.200000e+01 : f32
        %add3A_183 = vector.broadcast %add3A_182 : f32 to vector<16xf32>
        %add3A_184 = arith.addf %while3A_87, %add3A_183 : vector<16xf32>
        %max3A_185 = arith.maximumf %while3A_88, %max3A_176 : vector<16xf32>
        scf.yield %add3A_178, %add3A_181, %add3A_184, %max3A_185 : i32, vector<16xi32>, vector<16xf32>, vector<16xf32>
      }
      %sort3A = arith.constant dense<true> : vector<16xi1>
      %sort3A_72, %sort3A_73, %sort3A_74 = tpu.sort %while3A_71#3, %while3A_71#3 masked %sort3A : (vector<16xf32>, vector<16xf32>, vector<16xi1>) -> (vector<16xi1>, vector<16xf32>, vector<16xf32>)
      %slice3A_75 = vector.extract_strided_slice %sort3A_73 {offsets = [15], sizes = [1], strides = [1]} : vector<16xf32> to vector<1xf32>
      %squeeze3A_76 = vector.extract %slice3A_75[0] : f32 from vector<1xf32>
      %eq3A_77 = vector.broadcast %scan3A_35 : i32 to vector<16xi32>
      %eq3A_78 = arith.cmpi eq, %iota3A, %eq3A_77 : vector<16xi32>
      %max3A = arith.constant 0.000000e+00 : f32
      %max3A_79 = arith.maximumf %squeeze3A_76, %max3A : f32
      %broadcast_in_dim3A_80 = vector.broadcast %max3A_79 : f32 to vector<16xf32>
      %select_n3A = arith.select %eq3A_78, %broadcast_in_dim3A_80, %scan3A_36 : vector<16xi1>, vector<16xf32>
      %gt3A = arith.constant -5.000000e-01 : f32
      %gt3A_81 = arith.cmpf ogt, %squeeze3A_76, %gt3A : f32
      %and3A = vector.broadcast %gt3A_81 : i1 to vector<16xi1>
      %and3A_82 = arith.andi %eq3A_78, %and3A : vector<16xi1>
      %jit3A = arith.constant 1.000000e+00 : f32
      %broadcast_in_dim3A_83 = vector.broadcast %jit3A : f32 to vector<16xf32>
      %select_n3A_84 = arith.select %and3A_82, %broadcast_in_dim3A_83, %scan3A_37 : vector<16xi1>, vector<16xf32>
      scf.yield %select_n3A, %select_n3A_84 : vector<16xf32>, vector<16xf32>
    }
    %scan3A_26 = arith.constant 16 : i32
    %swap3A_27 = arith.constant 16 : index
    %swap3A_28 = tpu.vector_load %arg9[%swap3A_27] {strides = array<i32>} : memref<32xf32, #tpu.memory_space<vmem>>, vector<16xf32>,
    tpu.vector_store %arg9[%swap3A_27], %scan3A_25#0 {strides = array<i32>} : memref<32xf32, #tpu.memory_space<vmem>>, vector<16xf32>,
    %swap3A_29 = arith.constant 16 : index
    %swap3A_30 = tpu.vector_load %arg10[%swap3A_29] {strides = array<i32>} : memref<32xf32, #tpu.memory_space<vmem>>, vector<16xf32>,
    tpu.vector_store %arg10[%swap3A_29], %scan3A_25#1 {strides = array<i32>} : memref<32xf32, #tpu.memory_space<vmem>>, vector<16xf32>,
    %mul3A_31 = arith.constant 32 : i32
    %mul3A_32 = arith.muli %add3A, %mul3A_31 : i32
    "tpu.region"() ({
      %run_scoped3A = tpu.sem_alloc : memref<!tpu.dma_semaphore, #tpu.memory_space<semaphore_mem>>
      %dma_start3A = tpu.memref_slice %arg4[%mul3A_32] : memref<1024xf32, #tpu.memory_space<hbm>> -> memref<32xf32, #tpu.memory_space<hbm>>
      %dma_start3A_35 = tpu.memref_slice %arg4[%mul3A_32] : memref<1024xf32, #tpu.memory_space<hbm>> -> memref<32xf32, #tpu.memory_space<hbm>>
      tpu.enqueue_dma source(%arg9 : memref<32xf32, #tpu.memory_space<vmem>>) target(%dma_start3A_35 : memref<32xf32, #tpu.memory_space<hbm>>) target_semaphore(%run_scoped3A : memref<!tpu.dma_semaphore, #tpu.memory_space<semaphore_mem>>)
      %dma_wait3A = tpu.memref_slice %arg4[%mul3A_32] : memref<1024xf32, #tpu.memory_space<hbm>> -> memref<32xf32, #tpu.memory_space<hbm>>
      %dma_wait3A_36 = tpu.memref_slice %arg4[%mul3A_32] : memref<1024xf32, #tpu.memory_space<hbm>> -> memref<32xf32, #tpu.memory_space<hbm>>
      tpu.wait_dma2 semaphore(%run_scoped3A : memref<!tpu.dma_semaphore, #tpu.memory_space<semaphore_mem>>) src(%arg9 : memref<32xf32, #tpu.memory_space<vmem>>) dst(%dma_wait3A_36 : memref<32xf32, #tpu.memory_space<hbm>>)
      tpu.yield
    }) : () -> ()
    %mul3A_33 = arith.constant 32 : i32
    %mul3A_34 = arith.muli %add3A, %mul3A_33 : i32
    "tpu.region"() ({
      %run_scoped3A = tpu.sem_alloc : memref<!tpu.dma_semaphore, #tpu.memory_space<semaphore_mem>>
      %dma_start3A = tpu.memref_slice %arg5[%mul3A_34] : memref<1024xf32, #tpu.memory_space<hbm>> -> memref<32xf32, #tpu.memory_space<hbm>>
      %dma_start3A_35 = tpu.memref_slice %arg5[%mul3A_34] : memref<1024xf32, #tpu.memory_space<hbm>> -> memref<32xf32, #tpu.memory_space<hbm>>
      tpu.enqueue_dma source(%arg10 : memref<32xf32, #tpu.memory_space<vmem>>) target(%dma_start3A_35 : memref<32xf32, #tpu.memory_space<hbm>>) target_semaphore(%run_scoped3A : memref<!tpu.dma_semaphore, #tpu.memory_space<semaphore_mem>>)
      %dma_wait3A = tpu.memref_slice %arg5[%mul3A_34] : memref<1024xf32, #tpu.memory_space<hbm>> -> memref<32xf32, #tpu.memory_space<hbm>>
      %dma_wait3A_36 = tpu.memref_slice %arg5[%mul3A_34] : memref<1024xf32, #tpu.memory_space<hbm>> -> memref<32xf32, #tpu.memory_space<hbm>>
      tpu.wait_dma2 semaphore(%run_scoped3A : memref<!tpu.dma_semaphore, #tpu.memory_space<semaphore_mem>>) src(%arg10 : memref<32xf32, #tpu.memory_space<vmem>>) dst(%dma_wait3A_36 : memref<32xf32, #tpu.memory_space<hbm>>)
      tpu.yield
    }) : () -> ()
    return
  }
}

module attributes {stable_mosaic.version = 14 : i64} {
  func.func @_tc_body(%arg0: memref<1x256x256xf32, #tpu.memory_space<vmem>>, %arg1: memref<1000x4xf32, #tpu.memory_space<vmem>>, %arg2: memref<256x128xi32, #tpu.memory_space<vmem>>, %arg3: memref<1024x128xi32, #tpu.memory_space<vmem>>) attributes {dimension_semantics = [], scalar_prefetch = 0 : i64, scratch_operands = 0 : i64, tpu.core_type = #tpu.core_type<tc>} {
    %get3A = arith.constant 0 : index
    %get3A_0 = arith.constant 0 : index
    %get3A_1 = vector.load %arg1[%get3A, %get3A_0] : memref<1000x4xf32, #tpu.memory_space<vmem>>, vector<1000x4xf32>
    %slice3A = vector.extract_strided_slice %get3A_1 {offsets = [0, 0], sizes = [1000, 1], strides = [1, 1]} : vector<1000x4xf32> to vector<1000x1xf32>
    %slice3A_2 = vector.extract_strided_slice %get3A_1 {offsets = [0, 1], sizes = [1000, 1], strides = [1, 1]} : vector<1000x4xf32> to vector<1000x1xf32>
    %slice3A_3 = vector.extract_strided_slice %get3A_1 {offsets = [0, 2], sizes = [1000, 1], strides = [1, 1]} : vector<1000x4xf32> to vector<1000x1xf32>
    %slice3A_4 = vector.extract_strided_slice %get3A_1 {offsets = [0, 3], sizes = [1000, 1], strides = [1, 1]} : vector<1000x4xf32> to vector<1000x1xf32>
    %sub3A = arith.subf %slice3A_3, %slice3A : vector<1000x1xf32>
    %sub3A_5 = arith.subf %slice3A_4, %slice3A_2 : vector<1000x1xf32>
    %mul3A = arith.mulf %sub3A, %sub3A_5 : vector<1000x1xf32>
    %ne3A = arith.constant 0.000000e+00 : f32
    %ne3A_6 = vector.broadcast %ne3A : f32 to vector<1000x1xf32>
    %ne3A_7 = arith.cmpf one, %mul3A, %ne3A_6 : vector<1000x1xf32>
    %iota3A = tpu.iota {dimensions = array<i32: 1>} : vector<1000x256xi32>
    %convert_element_type3A = arith.sitofp %iota3A : vector<1000x256xi32> to vector<1000x256xf32>
    %mul3A_8 = arith.constant 2.000000e+00 : f32
    %mul3A_9 = vector.broadcast %mul3A_8 : f32 to vector<1000x256xf32>
    %mul3A_10 = arith.mulf %convert_element_type3A, %mul3A_9 : vector<1000x256xf32>
    %add3A = arith.constant 1.000000e+00 : f32
    %add3A_11 = vector.broadcast %add3A : f32 to vector<1000x256xf32>
    %add3A_12 = arith.addf %mul3A_10, %add3A_11 : vector<1000x256xf32>
    %ge3A = vector.broadcast %slice3A_2 : vector<1000x1xf32> to vector<1000x256xf32>
    %ge3A_13 = arith.cmpf oge, %add3A_12, %ge3A : vector<1000x256xf32>
    %le3A = vector.broadcast %slice3A_4 : vector<1000x1xf32> to vector<1000x256xf32>
    %le3A_14 = arith.cmpf ole, %add3A_12, %le3A : vector<1000x256xf32>
    %and3A = arith.andi %ge3A_13, %le3A_14 : vector<1000x256xi1>
    %and3A_15 = vector.broadcast %ne3A_7 : vector<1000x1xi1> to vector<1000x256xi1>
    %and3A_16 = arith.andi %and3A, %and3A_15 : vector<1000x256xi1>
    %iota3A_17 = tpu.iota {dimensions = array<i32: 1>} : vector<1000x128xi32>
    %convert_element_type3A_18 = arith.sitofp %iota3A_17 : vector<1000x128xi32> to vector<1000x128xf32>
    %mul3A_19 = arith.constant 4.000000e+00 : f32
    %mul3A_20 = vector.broadcast %mul3A_19 : f32 to vector<1000x128xf32>
    %mul3A_21 = arith.mulf %convert_element_type3A_18, %mul3A_20 : vector<1000x128xf32>
    %add3A_22 = arith.constant 1.000000e+00 : f32
    %add3A_23 = vector.broadcast %add3A_22 : f32 to vector<1000x128xf32>
    %add3A_24 = arith.addf %mul3A_21, %add3A_23 : vector<1000x128xf32>
    %ge3A_25 = vector.broadcast %slice3A : vector<1000x1xf32> to vector<1000x128xf32>
    %ge3A_26 = arith.cmpf oge, %add3A_24, %ge3A_25 : vector<1000x128xf32>
    %add3A_27 = arith.constant 1.000000e+00 : f32
    %add3A_28 = vector.broadcast %add3A_27 : f32 to vector<1000x128xf32>
    %add3A_29 = arith.addf %mul3A_21, %add3A_28 : vector<1000x128xf32>
    %le3A_30 = vector.broadcast %slice3A_3 : vector<1000x1xf32> to vector<1000x128xf32>
    %le3A_31 = arith.cmpf ole, %add3A_29, %le3A_30 : vector<1000x128xf32>
    %and3A_32 = arith.andi %ge3A_26, %le3A_31 : vector<1000x128xi1>
    %and3A_33 = vector.broadcast %ne3A_7 : vector<1000x1xi1> to vector<1000x128xi1>
    %and3A_34 = arith.andi %and3A_32, %and3A_33 : vector<1000x128xi1>
    %add3A_35 = arith.constant 3.000000e+00 : f32
    %add3A_36 = vector.broadcast %add3A_35 : f32 to vector<1000x128xf32>
    %add3A_37 = arith.addf %mul3A_21, %add3A_36 : vector<1000x128xf32>
    %ge3A_38 = vector.broadcast %slice3A : vector<1000x1xf32> to vector<1000x128xf32>
    %ge3A_39 = arith.cmpf oge, %add3A_37, %ge3A_38 : vector<1000x128xf32>
    %add3A_40 = arith.constant 3.000000e+00 : f32
    %add3A_41 = vector.broadcast %add3A_40 : f32 to vector<1000x128xf32>
    %add3A_42 = arith.addf %mul3A_21, %add3A_41 : vector<1000x128xf32>
    %le3A_43 = vector.broadcast %slice3A_3 : vector<1000x1xf32> to vector<1000x128xf32>
    %le3A_44 = arith.cmpf ole, %add3A_42, %le3A_43 : vector<1000x128xf32>
    %and3A_45 = arith.andi %ge3A_39, %le3A_44 : vector<1000x128xi1>
    %and3A_46 = vector.broadcast %ne3A_7 : vector<1000x1xi1> to vector<1000x128xi1>
    %and3A_47 = arith.andi %and3A_45, %and3A_46 : vector<1000x128xi1>
    %convert_element_type3A_48 = arith.extui %and3A_16 : vector<1000x256xi1> to vector<1000x256xi32>
    %convert_element_type3A_49 = arith.sitofp %convert_element_type3A_48 : vector<1000x256xi32> to vector<1000x256xf32>
    %convert_element_type3A_50 = arith.extui %and3A_34 : vector<1000x128xi1> to vector<1000x128xi32>
    %convert_element_type3A_51 = arith.sitofp %convert_element_type3A_50 : vector<1000x128xi32> to vector<1000x128xf32>
    %dot_general3A = arith.constant dense<0.000000e+00> : vector<256x128xf32>
    %dot_general3A_52 = tpu.matmul %convert_element_type3A_49, %convert_element_type3A_51, %dot_general3A {dimension_numbers = #tpu.dot_dimension_numbers<[0], [0], [1], [1], [0, 1, 1, 1], [], []>, transpose_lhs_hint = true} : vector<1000x256xf32>, vector<1000x128xf32>, vector<256x128xf32> -> vector<256x128xf32>
    %convert_element_type3A_53 = arith.extui %and3A_47 : vector<1000x128xi1> to vector<1000x128xi32>
    %convert_element_type3A_54 = arith.sitofp %convert_element_type3A_53 : vector<1000x128xi32> to vector<1000x128xf32>
    %dot_general3A_55 = arith.constant dense<0.000000e+00> : vector<256x128xf32>
    %dot_general3A_56 = tpu.matmul %convert_element_type3A_49, %convert_element_type3A_54, %dot_general3A_55 {dimension_numbers = #tpu.dot_dimension_numbers<[0], [0], [1], [1], [0, 1, 1, 1], [], []>, transpose_lhs_hint = true} : vector<1000x256xf32>, vector<1000x128xf32>, vector<256x128xf32> -> vector<256x128xf32>
    %get3A_57 = arith.constant 0 : index
    %get3A_58 = arith.constant 0 : index
    %get3A_59 = arith.constant 0 : index
    %get3A_60 = vector.load %arg0[%get3A_57, %get3A_58, %get3A_59] : memref<1x256x256xf32, #tpu.memory_space<vmem>>, vector<1x256x256xf32>
    %get3A_61 = vector.shape_cast %get3A_60 : vector<1x256x256xf32> to vector<256x256xf32>
    %neg3A = arith.constant 0.000000e+00 : f32
    %neg3A_62 = vector.broadcast %neg3A : f32 to vector<256x256xf32>
    %neg3A_63 = arith.subf %neg3A_62, %get3A_61 : vector<256x256xf32>
    %exp3A = math.exp %neg3A_63 : vector<256x256xf32>
    %add3A_64 = arith.constant 1.000000e+00 : f32
    %add3A_65 = vector.broadcast %add3A_64 : f32 to vector<256x256xf32>
    %add3A_66 = arith.addf %add3A_65, %exp3A : vector<256x256xf32>
    %div3A = arith.constant 1.000000e+00 : f32
    %div3A_67 = vector.broadcast %div3A : f32 to vector<256x256xf32>
    %div3A_68 = arith.divf %div3A_67, %add3A_66 : vector<256x256xf32>
    %iota3A_69 = tpu.iota {dimensions = array<i32: 0>} : vector<256x128xi32>
    %iota3A_70 = tpu.iota {dimensions = array<i32: 1>} : vector<256x128xi32>
    %mul3A_71 = arith.constant 2 : i32
    %mul3A_72 = vector.broadcast %mul3A_71 : i32 to vector<256x128xi32>
    %mul3A_73 = arith.muli %iota3A_70, %mul3A_72 : vector<256x128xi32>
    %eq3A = arith.cmpi eq, %iota3A_69, %mul3A_73 : vector<256x128xi32>
    %convert_element_type3A_74 = arith.extui %eq3A : vector<256x128xi1> to vector<256x128xi32>
    %convert_element_type3A_75 = arith.sitofp %convert_element_type3A_74 : vector<256x128xi32> to vector<256x128xf32>
    %add3A_76 = arith.constant 1 : i32
    %add3A_77 = vector.broadcast %add3A_76 : i32 to vector<256x128xi32>
    %add3A_78 = arith.addi %mul3A_73, %add3A_77 : vector<256x128xi32>
    %eq3A_79 = arith.cmpi eq, %iota3A_69, %add3A_78 : vector<256x128xi32>
    %convert_element_type3A_80 = arith.extui %eq3A_79 : vector<256x128xi1> to vector<256x128xi32>
    %convert_element_type3A_81 = arith.sitofp %convert_element_type3A_80 : vector<256x128xi32> to vector<256x128xf32>
    %dot_general3A_82 = arith.constant dense<0.000000e+00> : vector<256x128xf32>
    %dot_general3A_83 = tpu.matmul %div3A_68, %convert_element_type3A_75, %dot_general3A_82 {dimension_numbers = #tpu.dot_dimension_numbers<[1], [0], [0], [1], [0, 0, 1, 1], [], []>, transpose_lhs_hint = false} : vector<256x256xf32>, vector<256x128xf32>, vector<256x128xf32> -> vector<256x128xf32>
    %dot_general3A_84 = arith.constant dense<0.000000e+00> : vector<256x128xf32>
    %dot_general3A_85 = tpu.matmul %div3A_68, %convert_element_type3A_81, %dot_general3A_84 {dimension_numbers = #tpu.dot_dimension_numbers<[1], [0], [0], [1], [0, 0, 1, 1], [], []>, transpose_lhs_hint = false} : vector<256x256xf32>, vector<256x128xf32>, vector<256x128xf32> -> vector<256x128xf32>
    %gt3A = arith.constant 5.000000e-01 : f32
    %gt3A_86 = vector.broadcast %gt3A : f32 to vector<256x128xf32>
    %gt3A_87 = arith.cmpf ogt, %dot_general3A_52, %gt3A_86 : vector<256x128xf32>
    %lt3A = arith.constant 1.500000e+00 : f32
    %lt3A_88 = vector.broadcast %lt3A : f32 to vector<256x128xf32>
    %lt3A_89 = arith.cmpf olt, %dot_general3A_52, %lt3A_88 : vector<256x128xf32>
    %and3A_90 = arith.andi %gt3A_87, %lt3A_89 : vector<256x128xi1>
    %jit3A = arith.constant -1.000000e+00 : f32
    %broadcast_in_dim3A = vector.broadcast %jit3A : f32 to vector<256x128xf32>
    %select_n3A = arith.select %and3A_90, %dot_general3A_83, %broadcast_in_dim3A : vector<256x128xi1>, vector<256x128xf32>
    %gt3A_91 = arith.constant 5.000000e-01 : f32
    %gt3A_92 = vector.broadcast %gt3A_91 : f32 to vector<256x128xf32>
    %gt3A_93 = arith.cmpf ogt, %dot_general3A_56, %gt3A_92 : vector<256x128xf32>
    %lt3A_94 = arith.constant 1.500000e+00 : f32
    %lt3A_95 = vector.broadcast %lt3A_94 : f32 to vector<256x128xf32>
    %lt3A_96 = arith.cmpf olt, %dot_general3A_56, %lt3A_95 : vector<256x128xf32>
    %and3A_97 = arith.andi %gt3A_93, %lt3A_96 : vector<256x128xi1>
    %jit3A_98 = arith.constant -1.000000e+00 : f32
    %broadcast_in_dim3A_99 = vector.broadcast %jit3A_98 : f32 to vector<256x128xf32>
    %select_n3A_100 = arith.select %and3A_97, %dot_general3A_85, %broadcast_in_dim3A_99 : vector<256x128xi1>, vector<256x128xf32>
    %bitcast_convert_type3A = tpu.bitcast %select_n3A : vector<256x128xf32> -> vector<256x128xi32>
    %add3A_101 = arith.constant 32767 : i32
    %add3A_102 = vector.broadcast %add3A_101 : i32 to vector<256x128xi32>
    %add3A_103 = arith.addi %bitcast_convert_type3A, %add3A_102 : vector<256x128xi32>
    %shift_right_arithmetic3A = arith.constant 16 : i32
    %shift_right_arithmetic3A_104 = vector.broadcast %shift_right_arithmetic3A : i32 to vector<256x128xi32>
    %shift_right_arithmetic3A_105 = arith.shrsi %bitcast_convert_type3A, %shift_right_arithmetic3A_104 : vector<256x128xi32>
    %and3A_106 = arith.constant 1 : i32
    %and3A_107 = vector.broadcast %and3A_106 : i32 to vector<256x128xi32>
    %and3A_108 = arith.andi %shift_right_arithmetic3A_105, %and3A_107 : vector<256x128xi32>
    %add3A_109 = arith.addi %add3A_103, %and3A_108 : vector<256x128xi32>
    %shift_right_arithmetic3A_110 = arith.constant 16 : i32
    %shift_right_arithmetic3A_111 = vector.broadcast %shift_right_arithmetic3A_110 : i32 to vector<256x128xi32>
    %shift_right_arithmetic3A_112 = arith.shrsi %add3A_109, %shift_right_arithmetic3A_111 : vector<256x128xi32>
    %and3A_113 = arith.constant 65535 : i32
    %and3A_114 = vector.broadcast %and3A_113 : i32 to vector<256x128xi32>
    %and3A_115 = arith.andi %shift_right_arithmetic3A_112, %and3A_114 : vector<256x128xi32>
    %bitcast_convert_type3A_116 = tpu.bitcast %select_n3A_100 : vector<256x128xf32> -> vector<256x128xi32>
    %add3A_117 = arith.constant 32767 : i32
    %add3A_118 = vector.broadcast %add3A_117 : i32 to vector<256x128xi32>
    %add3A_119 = arith.addi %bitcast_convert_type3A_116, %add3A_118 : vector<256x128xi32>
    %shift_right_arithmetic3A_120 = arith.constant 16 : i32
    %shift_right_arithmetic3A_121 = vector.broadcast %shift_right_arithmetic3A_120 : i32 to vector<256x128xi32>
    %shift_right_arithmetic3A_122 = arith.shrsi %bitcast_convert_type3A_116, %shift_right_arithmetic3A_121 : vector<256x128xi32>
    %and3A_123 = arith.constant 1 : i32
    %and3A_124 = vector.broadcast %and3A_123 : i32 to vector<256x128xi32>
    %and3A_125 = arith.andi %shift_right_arithmetic3A_122, %and3A_124 : vector<256x128xi32>
    %add3A_126 = arith.addi %add3A_119, %and3A_125 : vector<256x128xi32>
    %shift_right_arithmetic3A_127 = arith.constant 16 : i32
    %shift_right_arithmetic3A_128 = vector.broadcast %shift_right_arithmetic3A_127 : i32 to vector<256x128xi32>
    %shift_right_arithmetic3A_129 = arith.shrsi %add3A_126, %shift_right_arithmetic3A_128 : vector<256x128xi32>
    %and3A_130 = arith.constant 65535 : i32
    %and3A_131 = vector.broadcast %and3A_130 : i32 to vector<256x128xi32>
    %and3A_132 = arith.andi %shift_right_arithmetic3A_129, %and3A_131 : vector<256x128xi32>
    %shift_left3A = arith.constant 16 : i32
    %shift_left3A_133 = vector.broadcast %shift_left3A : i32 to vector<256x128xi32>
    %shift_left3A_134 = arith.shli %and3A_132, %shift_left3A_133 : vector<256x128xi32>
    %or3A = arith.ori %and3A_115, %shift_left3A_134 : vector<256x128xi32>
    %swap3A = arith.constant 0 : index
    %swap3A_135 = arith.constant 0 : index
    %swap3A_136 = vector.load %arg2[%swap3A, %swap3A_135] : memref<256x128xi32, #tpu.memory_space<vmem>>, vector<256x128xi32>
    tpu.vector_store %arg2[%swap3A, %swap3A_135], %or3A {strides = array<i32>} : memref<256x128xi32, #tpu.memory_space<vmem>>, vector<256x128xi32>,
    %sub3A_137 = arith.constant 1.000000e+00 : f32
    %sub3A_138 = vector.broadcast %sub3A_137 : f32 to vector<1000x1xf32>
    %sub3A_139 = arith.subf %slice3A, %sub3A_138 : vector<1000x1xf32>
    %mul3A_140 = arith.constant 5.000000e-01 : f32
    %mul3A_141 = vector.broadcast %mul3A_140 : f32 to vector<1000x1xf32>
    %mul3A_142 = arith.mulf %sub3A_139, %mul3A_141 : vector<1000x1xf32>
    %convert_element_type3A_143 = arith.fptosi %mul3A_142 : vector<1000x1xf32> to vector<1000x1xi32>
    %convert_element_type3A_144 = arith.sitofp %convert_element_type3A_143 : vector<1000x1xi32> to vector<1000x1xf32>
    %lt3A_145 = arith.cmpf olt, %convert_element_type3A_144, %mul3A_142 : vector<1000x1xf32>
    %convert_element_type3A_146 = arith.extui %lt3A_145 : vector<1000x1xi1> to vector<1000x1xi32>
    %add3A_147 = arith.addi %convert_element_type3A_143, %convert_element_type3A_146 : vector<1000x1xi32>
    %convert_element_type3A_148 = arith.sitofp %add3A_147 : vector<1000x1xi32> to vector<1000x1xf32>
    %mul3A_149 = arith.constant 2.000000e+00 : f32
    %mul3A_150 = vector.broadcast %mul3A_149 : f32 to vector<1000x1xf32>
    %mul3A_151 = arith.mulf %mul3A_150, %convert_element_type3A_148 : vector<1000x1xf32>
    %add3A_152 = arith.constant 1.000000e+00 : f32
    %add3A_153 = vector.broadcast %add3A_152 : f32 to vector<1000x1xf32>
    %add3A_154 = arith.addf %mul3A_151, %add3A_153 : vector<1000x1xf32>
    %lt3A_155 = arith.cmpf olt, %add3A_154, %slice3A : vector<1000x1xf32>
    %convert_element_type3A_156 = arith.extui %lt3A_155 : vector<1000x1xi1> to vector<1000x1xi32>
    %add3A_157 = arith.addi %add3A_147, %convert_element_type3A_156 : vector<1000x1xi32>
    %convert_element_type3A_158 = arith.sitofp %add3A_157 : vector<1000x1xi32> to vector<1000x1xf32>
    %mul3A_159 = arith.constant 2.000000e+00 : f32
    %mul3A_160 = vector.broadcast %mul3A_159 : f32 to vector<1000x1xf32>
    %mul3A_161 = arith.mulf %mul3A_160, %convert_element_type3A_158 : vector<1000x1xf32>
    %sub3A_162 = arith.constant 1.000000e+00 : f32
    %sub3A_163 = vector.broadcast %sub3A_162 : f32 to vector<1000x1xf32>
    %sub3A_164 = arith.subf %mul3A_161, %sub3A_163 : vector<1000x1xf32>
    %ge3A_165 = arith.cmpf oge, %sub3A_164, %slice3A : vector<1000x1xf32>
    %convert_element_type3A_166 = arith.extui %ge3A_165 : vector<1000x1xi1> to vector<1000x1xi32>
    %sub3A_167 = arith.subi %add3A_157, %convert_element_type3A_166 : vector<1000x1xi32>
    %max3A = arith.constant 0 : i32
    %max3A_168 = vector.broadcast %max3A : i32 to vector<1000x1xi32>
    %max3A_169 = arith.maxsi %sub3A_167, %max3A_168 : vector<1000x1xi32>
    %sub3A_170 = arith.constant 1.000000e+00 : f32
    %sub3A_171 = vector.broadcast %sub3A_170 : f32 to vector<1000x1xf32>
    %sub3A_172 = arith.subf %slice3A_3, %sub3A_171 : vector<1000x1xf32>
    %mul3A_173 = arith.constant 5.000000e-01 : f32
    %mul3A_174 = vector.broadcast %mul3A_173 : f32 to vector<1000x1xf32>
    %mul3A_175 = arith.mulf %sub3A_172, %mul3A_174 : vector<1000x1xf32>
    %convert_element_type3A_176 = arith.fptosi %mul3A_175 : vector<1000x1xf32> to vector<1000x1xi32>
    %convert_element_type3A_177 = arith.sitofp %convert_element_type3A_176 : vector<1000x1xi32> to vector<1000x1xf32>
    %gt3A_178 = arith.cmpf ogt, %convert_element_type3A_177, %mul3A_175 : vector<1000x1xf32>
    %convert_element_type3A_179 = arith.extui %gt3A_178 : vector<1000x1xi1> to vector<1000x1xi32>
    %sub3A_180 = arith.subi %convert_element_type3A_176, %convert_element_type3A_179 : vector<1000x1xi32>
    %convert_element_type3A_181 = arith.sitofp %sub3A_180 : vector<1000x1xi32> to vector<1000x1xf32>
    %mul3A_182 = arith.constant 2.000000e+00 : f32
    %mul3A_183 = vector.broadcast %mul3A_182 : f32 to vector<1000x1xf32>
    %mul3A_184 = arith.mulf %mul3A_183, %convert_element_type3A_181 : vector<1000x1xf32>
    %add3A_185 = arith.constant 1.000000e+00 : f32
    %add3A_186 = vector.broadcast %add3A_185 : f32 to vector<1000x1xf32>
    %add3A_187 = arith.addf %mul3A_184, %add3A_186 : vector<1000x1xf32>
    %gt3A_188 = arith.cmpf ogt, %add3A_187, %slice3A_3 : vector<1000x1xf32>
    %convert_element_type3A_189 = arith.extui %gt3A_188 : vector<1000x1xi1> to vector<1000x1xi32>
    %sub3A_190 = arith.subi %sub3A_180, %convert_element_type3A_189 : vector<1000x1xi32>
    %convert_element_type3A_191 = arith.sitofp %sub3A_190 : vector<1000x1xi32> to vector<1000x1xf32>
    %mul3A_192 = arith.constant 2.000000e+00 : f32
    %mul3A_193 = vector.broadcast %mul3A_192 : f32 to vector<1000x1xf32>
    %mul3A_194 = arith.mulf %mul3A_193, %convert_element_type3A_191 : vector<1000x1xf32>
    %add3A_195 = arith.constant 3.000000e+00 : f32
    %add3A_196 = vector.broadcast %add3A_195 : f32 to vector<1000x1xf32>
    %add3A_197 = arith.addf %mul3A_194, %add3A_196 : vector<1000x1xf32>
    %le3A_198 = arith.cmpf ole, %add3A_197, %slice3A_3 : vector<1000x1xf32>
    %convert_element_type3A_199 = arith.extui %le3A_198 : vector<1000x1xi1> to vector<1000x1xi32>
    %add3A_200 = arith.addi %sub3A_190, %convert_element_type3A_199 : vector<1000x1xi32>
    %min3A = arith.constant 255 : i32
    %min3A_201 = vector.broadcast %min3A : i32 to vector<1000x1xi32>
    %min3A_202 = arith.minsi %add3A_200, %min3A_201 : vector<1000x1xi32>
    %sub3A_203 = arith.constant 1.000000e+00 : f32
    %sub3A_204 = vector.broadcast %sub3A_203 : f32 to vector<1000x1xf32>
    %sub3A_205 = arith.subf %slice3A_2, %sub3A_204 : vector<1000x1xf32>
    %mul3A_206 = arith.constant 5.000000e-01 : f32
    %mul3A_207 = vector.broadcast %mul3A_206 : f32 to vector<1000x1xf32>
    %mul3A_208 = arith.mulf %sub3A_205, %mul3A_207 : vector<1000x1xf32>
    %convert_element_type3A_209 = arith.fptosi %mul3A_208 : vector<1000x1xf32> to vector<1000x1xi32>
    %convert_element_type3A_210 = arith.sitofp %convert_element_type3A_209 : vector<1000x1xi32> to vector<1000x1xf32>
    %lt3A_211 = arith.cmpf olt, %convert_element_type3A_210, %mul3A_208 : vector<1000x1xf32>
    %convert_element_type3A_212 = arith.extui %lt3A_211 : vector<1000x1xi1> to vector<1000x1xi32>
    %add3A_213 = arith.addi %convert_element_type3A_209, %convert_element_type3A_212 : vector<1000x1xi32>
    %convert_element_type3A_214 = arith.sitofp %add3A_213 : vector<1000x1xi32> to vector<1000x1xf32>
    %mul3A_215 = arith.constant 2.000000e+00 : f32
    %mul3A_216 = vector.broadcast %mul3A_215 : f32 to vector<1000x1xf32>
    %mul3A_217 = arith.mulf %mul3A_216, %convert_element_type3A_214 : vector<1000x1xf32>
    %add3A_218 = arith.constant 1.000000e+00 : f32
    %add3A_219 = vector.broadcast %add3A_218 : f32 to vector<1000x1xf32>
    %add3A_220 = arith.addf %mul3A_217, %add3A_219 : vector<1000x1xf32>
    %lt3A_221 = arith.cmpf olt, %add3A_220, %slice3A_2 : vector<1000x1xf32>
    %convert_element_type3A_222 = arith.extui %lt3A_221 : vector<1000x1xi1> to vector<1000x1xi32>
    %add3A_223 = arith.addi %add3A_213, %convert_element_type3A_222 : vector<1000x1xi32>
    %convert_element_type3A_224 = arith.sitofp %add3A_223 : vector<1000x1xi32> to vector<1000x1xf32>
    %mul3A_225 = arith.constant 2.000000e+00 : f32
    %mul3A_226 = vector.broadcast %mul3A_225 : f32 to vector<1000x1xf32>
    %mul3A_227 = arith.mulf %mul3A_226, %convert_element_type3A_224 : vector<1000x1xf32>
    %sub3A_228 = arith.constant 1.000000e+00 : f32
    %sub3A_229 = vector.broadcast %sub3A_228 : f32 to vector<1000x1xf32>
    %sub3A_230 = arith.subf %mul3A_227, %sub3A_229 : vector<1000x1xf32>
    %ge3A_231 = arith.cmpf oge, %sub3A_230, %slice3A_2 : vector<1000x1xf32>
    %convert_element_type3A_232 = arith.extui %ge3A_231 : vector<1000x1xi1> to vector<1000x1xi32>
    %sub3A_233 = arith.subi %add3A_223, %convert_element_type3A_232 : vector<1000x1xi32>
    %max3A_234 = arith.constant 0 : i32
    %max3A_235 = vector.broadcast %max3A_234 : i32 to vector<1000x1xi32>
    %max3A_236 = arith.maxsi %sub3A_233, %max3A_235 : vector<1000x1xi32>
    %sub3A_237 = arith.constant 1.000000e+00 : f32
    %sub3A_238 = vector.broadcast %sub3A_237 : f32 to vector<1000x1xf32>
    %sub3A_239 = arith.subf %slice3A_4, %sub3A_238 : vector<1000x1xf32>
    %mul3A_240 = arith.constant 5.000000e-01 : f32
    %mul3A_241 = vector.broadcast %mul3A_240 : f32 to vector<1000x1xf32>
    %mul3A_242 = arith.mulf %sub3A_239, %mul3A_241 : vector<1000x1xf32>
    %convert_element_type3A_243 = arith.fptosi %mul3A_242 : vector<1000x1xf32> to vector<1000x1xi32>
    %convert_element_type3A_244 = arith.sitofp %convert_element_type3A_243 : vector<1000x1xi32> to vector<1000x1xf32>
    %gt3A_245 = arith.cmpf ogt, %convert_element_type3A_244, %mul3A_242 : vector<1000x1xf32>
    %convert_element_type3A_246 = arith.extui %gt3A_245 : vector<1000x1xi1> to vector<1000x1xi32>
    %sub3A_247 = arith.subi %convert_element_type3A_243, %convert_element_type3A_246 : vector<1000x1xi32>
    %convert_element_type3A_248 = arith.sitofp %sub3A_247 : vector<1000x1xi32> to vector<1000x1xf32>
    %mul3A_249 = arith.constant 2.000000e+00 : f32
    %mul3A_250 = vector.broadcast %mul3A_249 : f32 to vector<1000x1xf32>
    %mul3A_251 = arith.mulf %mul3A_250, %convert_element_type3A_248 : vector<1000x1xf32>
    %add3A_252 = arith.constant 1.000000e+00 : f32
    %add3A_253 = vector.broadcast %add3A_252 : f32 to vector<1000x1xf32>
    %add3A_254 = arith.addf %mul3A_251, %add3A_253 : vector<1000x1xf32>
    %gt3A_255 = arith.cmpf ogt, %add3A_254, %slice3A_4 : vector<1000x1xf32>
    %convert_element_type3A_256 = arith.extui %gt3A_255 : vector<1000x1xi1> to vector<1000x1xi32>
    %sub3A_257 = arith.subi %sub3A_247, %convert_element_type3A_256 : vector<1000x1xi32>
    %convert_element_type3A_258 = arith.sitofp %sub3A_257 : vector<1000x1xi32> to vector<1000x1xf32>
    %mul3A_259 = arith.constant 2.000000e+00 : f32
    %mul3A_260 = vector.broadcast %mul3A_259 : f32 to vector<1000x1xf32>
    %mul3A_261 = arith.mulf %mul3A_260, %convert_element_type3A_258 : vector<1000x1xf32>
    %add3A_262 = arith.constant 3.000000e+00 : f32
    %add3A_263 = vector.broadcast %add3A_262 : f32 to vector<1000x1xf32>
    %add3A_264 = arith.addf %mul3A_261, %add3A_263 : vector<1000x1xf32>
    %le3A_265 = arith.cmpf ole, %add3A_264, %slice3A_4 : vector<1000x1xf32>
    %convert_element_type3A_266 = arith.extui %le3A_265 : vector<1000x1xi1> to vector<1000x1xi32>
    %add3A_267 = arith.addi %sub3A_257, %convert_element_type3A_266 : vector<1000x1xi32>
    %min3A_268 = arith.constant 255 : i32
    %min3A_269 = vector.broadcast %min3A_268 : i32 to vector<1000x1xi32>
    %min3A_270 = arith.minsi %add3A_267, %min3A_269 : vector<1000x1xi32>
    %sub3A_271 = arith.subi %min3A_202, %max3A_169 : vector<1000x1xi32>
    %add3A_272 = arith.constant 1 : i32
    %add3A_273 = vector.broadcast %add3A_272 : i32 to vector<1000x1xi32>
    %add3A_274 = arith.addi %sub3A_271, %add3A_273 : vector<1000x1xi32>
    %sub3A_275 = arith.subi %min3A_270, %max3A_236 : vector<1000x1xi32>
    %add3A_276 = arith.constant 1 : i32
    %add3A_277 = vector.broadcast %add3A_276 : i32 to vector<1000x1xi32>
    %add3A_278 = arith.addi %sub3A_275, %add3A_277 : vector<1000x1xi32>
    %gt3A_279 = arith.constant 0 : i32
    %gt3A_280 = vector.broadcast %gt3A_279 : i32 to vector<1000x1xi32>
    %gt3A_281 = arith.cmpi sgt, %add3A_274, %gt3A_280 : vector<1000x1xi32>
    %and3A_282 = arith.andi %ne3A_7, %gt3A_281 : vector<1000x1xi1>
    %gt3A_283 = arith.constant 0 : i32
    %gt3A_284 = vector.broadcast %gt3A_283 : i32 to vector<1000x1xi32>
    %gt3A_285 = arith.cmpi sgt, %add3A_278, %gt3A_284 : vector<1000x1xi32>
    %and3A_286 = arith.andi %and3A_282, %gt3A_285 : vector<1000x1xi1>
    %shift_right_arithmetic3A_287 = arith.constant 1 : i32
    %shift_right_arithmetic3A_288 = vector.broadcast %shift_right_arithmetic3A_287 : i32 to vector<1000x1xi32>
    %shift_right_arithmetic3A_289 = arith.shrsi %max3A_169, %shift_right_arithmetic3A_288 : vector<1000x1xi32>
    %shift_right_arithmetic3A_290 = arith.constant 1 : i32
    %shift_right_arithmetic3A_291 = vector.broadcast %shift_right_arithmetic3A_290 : i32 to vector<1000x1xi32>
    %shift_right_arithmetic3A_292 = arith.shrsi %min3A_202, %shift_right_arithmetic3A_291 : vector<1000x1xi32>
    %sub3A_293 = arith.subi %shift_right_arithmetic3A_292, %shift_right_arithmetic3A_289 : vector<1000x1xi32>
    %add3A_294 = arith.constant 1 : i32
    %add3A_295 = vector.broadcast %add3A_294 : i32 to vector<1000x1xi32>
    %add3A_296 = arith.addi %sub3A_293, %add3A_295 : vector<1000x1xi32>
    %mul3A_297 = arith.muli %add3A_296, %add3A_278 : vector<1000x1xi32>
    %jit3A_298 = arith.constant 0 : i32
    %broadcast_in_dim3A_299 = vector.broadcast %jit3A_298 : i32 to vector<1000x1xi32>
    %select_n3A_300 = arith.select %and3A_286, %mul3A_297, %broadcast_in_dim3A_299 : vector<1000x1xi1>, vector<1000x1xi32>
    %gt3A_301 = arith.constant 0 : i32
    %gt3A_302 = vector.broadcast %gt3A_301 : i32 to vector<1000x1xi32>
    %gt3A_303 = arith.cmpi sgt, %add3A_296, %gt3A_302 : vector<1000x1xi32>
    %convert_element_type3A_304 = arith.sitofp %add3A_296 : vector<1000x1xi32> to vector<1000x1xf32>
    %div3A_305 = arith.constant 1.000000e+00 : f32
    %div3A_306 = vector.broadcast %div3A_305 : f32 to vector<1000x1xf32>
    %div3A_307 = arith.divf %div3A_306, %convert_element_type3A_304 : vector<1000x1xf32>
    %jit3A_308 = arith.constant 1.000000e+00 : f32
    %broadcast_in_dim3A_309 = vector.broadcast %jit3A_308 : f32 to vector<1000x1xf32>
    %select_n3A_310 = arith.select %gt3A_303, %div3A_307, %broadcast_in_dim3A_309 : vector<1000x1xi1>, vector<1000x1xf32>
    %bitcast_convert_type3A_311 = tpu.bitcast %select_n3A_310 : vector<1000x1xf32> -> vector<1000x1xi32>
    %broadcast_in_dim3A_312 = vector.shape_cast %max3A_169 : vector<1000x1xi32> to vector<1000x1xi32>
    %broadcast_in_dim3A_313 = vector.broadcast %broadcast_in_dim3A_312 : vector<1000x1xi32> to vector<1000x16xi32>
    %broadcast_in_dim3A_314 = vector.shape_cast %min3A_202 : vector<1000x1xi32> to vector<1000x1xi32>
    %broadcast_in_dim3A_315 = vector.broadcast %broadcast_in_dim3A_314 : vector<1000x1xi32> to vector<1000x16xi32>
    %broadcast_in_dim3A_316 = vector.shape_cast %max3A_236 : vector<1000x1xi32> to vector<1000x1xi32>
    %broadcast_in_dim3A_317 = vector.broadcast %broadcast_in_dim3A_316 : vector<1000x1xi32> to vector<1000x16xi32>
    %broadcast_in_dim3A_318 = vector.shape_cast %shift_right_arithmetic3A_289 : vector<1000x1xi32> to vector<1000x1xi32>
    %broadcast_in_dim3A_319 = vector.broadcast %broadcast_in_dim3A_318 : vector<1000x1xi32> to vector<1000x16xi32>
    %broadcast_in_dim3A_320 = vector.shape_cast %add3A_296 : vector<1000x1xi32> to vector<1000x1xi32>
    %broadcast_in_dim3A_321 = vector.broadcast %broadcast_in_dim3A_320 : vector<1000x1xi32> to vector<1000x16xi32>
    %broadcast_in_dim3A_322 = vector.shape_cast %select_n3A_300 : vector<1000x1xi32> to vector<1000x1xi32>
    %broadcast_in_dim3A_323 = vector.broadcast %broadcast_in_dim3A_322 : vector<1000x1xi32> to vector<1000x16xi32>
    %broadcast_in_dim3A_324 = vector.shape_cast %bitcast_convert_type3A_311 : vector<1000x1xi32> to vector<1000x1xi32>
    %broadcast_in_dim3A_325 = vector.broadcast %broadcast_in_dim3A_324 : vector<1000x1xi32> to vector<1000x16xi32>
    %broadcast_in_dim3A_326 = arith.constant 0 : i32
    %broadcast_in_dim3A_327 = vector.broadcast %broadcast_in_dim3A_326 : i32 to vector<1000x16xi32>
    %concatenate3A = tpu.concatenate %broadcast_in_dim3A_313, %broadcast_in_dim3A_315, %broadcast_in_dim3A_317, %broadcast_in_dim3A_319, %broadcast_in_dim3A_321, %broadcast_in_dim3A_323, %broadcast_in_dim3A_325, %broadcast_in_dim3A_327 in 1 : vector<1000x16xi32>, vector<1000x16xi32>, vector<1000x16xi32>, vector<1000x16xi32>, vector<1000x16xi32>, vector<1000x16xi32>, vector<1000x16xi32>, vector<1000x16xi32> -> vector<1000x128xi32>
    %swap3A_328 = arith.constant 0 : index
    %swap3A_329 = arith.constant 0 : index
    %swap3A_330 = vector.load %arg3[%swap3A_328, %swap3A_329] : memref<1024x128xi32, #tpu.memory_space<vmem>>, vector<1000x128xi32>
    tpu.vector_store %arg3[%swap3A_328, %swap3A_329], %concatenate3A {strides = array<i32>} : memref<1024x128xi32, #tpu.memory_space<vmem>>, vector<1000x128xi32>,
    %broadcast_in_dim3A_331 = arith.constant 0 : i32
    %broadcast_in_dim3A_332 = vector.broadcast %broadcast_in_dim3A_331 : i32 to vector<24x128xi32>
    %swap3A_333 = arith.constant 1000 : index
    %swap3A_334 = arith.constant 0 : index
    %swap3A_335 = vector.load %arg3[%swap3A_333, %swap3A_334] : memref<1024x128xi32, #tpu.memory_space<vmem>>, vector<24x128xi32>
    tpu.vector_store %arg3[%swap3A_333, %swap3A_334], %broadcast_in_dim3A_332 {strides = array<i32>} : memref<1024x128xi32, #tpu.memory_space<vmem>>, vector<24x128xi32>,
    return
  }
}

</mosaic_0001>

<sc_bundles>
// kernel: kernel.4.cloned.1.call-start
scs
__scs_entry_jumppad:
0x0: {  	(pc) =	sbr.rel $0x88, $3  }
0x1: {  	(tag) =	ssettag $0x0;
	lr =	simm.s32 $0x1  }
0x2: {  	[smem:$0x3F9F] =	sst lr;
	_ =	strace $0xD0000000  }
0x3: {  	_ = 	snop  }
0x4: {  	_ = 	snop  }
0x5: {  	_ = 	snop  }
0x6: {  	_ = 	snop  }
0x7: {  	_ = 	snop  }
__scs_overlays_trampoline_lowered:
0x8: {  	[smem:$0x3FAE] =	sst s0  }
0x9: {  	[smem:$0x3FAF] =	sst s1  }
0xa: {  	[smem:$0x3FB0] =	sst s2  }
0xb: {  	[smem:$0x3FB1] =	sst s3  }
0xc: {  	[smem:$0x3FB2] =	sst s4  }
0xd: {  	[smem:$0x3FB3] =	sst s5  }
0xe: {  	[smem:$0x3FB4] =	sst s6  }
0xf: {  	[smem:$0x3FB5] =	sst s7  }
0x10: {  	[smem:$0x3FB6] =	sst s8  }
0x11: {  	[smem:$0x3FB7] =	sst s9;
	s0 =	simm.s32 @!p0 $0x0  }
0x12: {  	s1 =	sld [smem:$0x3F9D];
	s0 =	simm.s32 @p0 $0x1  }
0x13: {  	[smem:$0x3FB8] =	sst s0;
	s0 =	simm.s32 @!p1 $0x0  }
0x14: {  	s2 =	sld [smem:$0x3F9C];
	s0 =	simm.s32 @p1 $0x1  }
0x15: {  	[smem:$0x3FB9] =	sst s0;
	s0 =	simm.s32 @!p2 $0x0  }
0x16: {  	s3 =	sld [smem:$0x3FDB];
	s0 =	simm.s32 @p2 $0x1  }
0x17: {  	s4 =	simm.s32 $0x1BF5;
	[smem:$0x3FBB] =	sst s0  }
0x18: {  	s0 =	sld [smem:$0x3F9E];
	_ =	swait.ge [sflag:s4], $0x0  }
0x19: {  	s7 =	sld [smem:$0x3F9F]  }
0x1a: {  	s8 =	sadd.s32 $0xFFFFE003, lr  }
0x1b: {  	s9 =	sadd.s32 $0xFFFFFEF7, lr;
	s5 =	simm.s32 $0xFFFFFFFF;
	p2 =	slt.u32 s8, $0xFFFFF086  }
0x1c: {  	p1 =	slt.u32 s9, $0xF7A;
	s5 =	simm.s32 @!p2 $0x0  }
0x1d: {  	s5 =	simm.s32 @p1 $0x1;
	p0 =	seq.s32 s7, s2  }
0x1e: {  	s7 =	smul.u32 @!p0 $0xF7A, s2;
	p2 =	seq.s32 @!p0 s5, $0x0  }
0x1f: {  	s9 =	smul.u32 $0xF7A, s1;
	s8 =	simm.s32 @!p0 $0x1BF5;
	p2 =	por !p2, p0  }
0x20: {  	[sflag:s8] =	ssyncset.s32 @!p0 $0xFFFFF086;
	s6 =	sadd.s32 @!p0 s3, s7;
	s7 =	simm.s32 @!p0 $0x108  }
0x21: {  	s3 =	sadd.s32 s3, s9;
	s6 =	sadd.s32 @!p0 $0x88, s6;
	s7 =	simm.s32 @p2 $0x1082  }
0x22: {  	[simem:s7], [sflag:s8] =	dma.local @!p0 [hbm:s6], $0xF7A  }
0x23: {  	s9 =	sor.u32 $0xD0000000, s2;
	s6 =	simm.s32 $0x108;
	_ =	swait.ge @!p0 [sflag:s8], $0x0  }
0x24: {  	s3 =	sadd.s32 $0x88, s3;
	s6 =	simm.s32 @!p1 $0x1082;
	[sflag:s4] =	ssyncset.s32 $0xFFFFF086  }
0x25: {  	[simem:s6], [sflag:s4] =	dma.local [hbm:s3], $0xF7A  }
0x26: {  	[smem:$0x3F9F] =	sst s1;
	(tag) =	ssettag s2;
	_ =	strace s9  }
0x27: {  	s1 =	sld [smem:$0x3FAF]  }
0x28: {  	s2 =	sld [smem:$0x3FB0]  }
0x29: {  	s4 =	sld [smem:$0x3FB2]  }
0x2a: {  	p0 =	seq.s32 s5, $0x0;
	s5 =	sld [smem:$0x3FB3]  }
0x2b: {  	s6 =	sld [smem:$0x3FB4]  }
0x2c: {  	s7 =	sld [smem:$0x3FB5]  }
0x2d: {  	s3 =	simm.s32 $0x108;
	s8 =	sld [smem:$0x3FB6]  }
0x2e: {  	s3 =	simm.s32 @!p0 $0x1082;
	s9 =	sld [smem:$0x3FB7]  }
0x2f: {  	lr =	sadd.s32 s0, s3;
	s0 =	sld [smem:$0x3FAE]  }
0x30: {  	s3 =	sld [smem:$0x3FB1]  }
0x31: {  	[smem:$0x3FBA] =	sst s10  }
0x32: {  	s10 =	sld [smem:$0x3FB8];
	_ =	sdelay $0x3  }
0x33: {  	p0 =	seq.s32 s10, $0x1;
	s10 =	sld [smem:$0x3FBA];
	_ =	sdelay $0x3  }
0x34: {  	[smem:$0x3FBA] =	sst s10  }
0x35: {  	s10 =	sld [smem:$0x3FB9];
	_ =	sdelay $0x3  }
0x36: {  	p1 =	seq.s32 s10, $0x1;
	s10 =	sld [smem:$0x3FBA];
	_ =	sdelay $0x3  }
0x37: {  	[smem:$0x3FBA] =	sst s10  }
0x38: {  	s10 =	sld [smem:$0x3FBB]  }
0x39: {  	_ = 	snop;
	(pc) =	sbr.ind lr, $3  }
0x3a: {  	_ = 	snop  }
0x3b: {  	_ = 	snop  }
0x3c: {  	p2 =	seq.s32 s10, $0x1;
	s10 =	sld [smem:$0x3FBA]  }
0x3d: {  	_ =	shalt  }
0x3e: {  	_ =	shalt  }
0x3f: {  	_ =	shalt  }
0x40: {  	_ =	shalt  }
0x41: {  	_ =	shalt  }
0x42: {  	_ =	shalt  }
0x43: {  	_ =	shalt  }
0x44: {  	_ =	shalt  }
0x45: {  	_ =	shalt  }
0x46: {  	_ =	shalt  }
0x47: {  	_ =	shalt  }
0x48: {  	_ =	shalt  }
0x49: {  	_ =	shalt  }
0x4a: {  	_ =	shalt  }
0x4b: {  	_ =	shalt  }
0x4c: {  	_ =	shalt  }
0x4d: {  	_ =	shalt  }
0x4e: {  	_ =	shalt  }
0x4f: {  	_ =	shalt  }
0x50: {  	_ =	shalt  }
0x51: {  	_ =	shalt  }
0x52: {  	_ =	shalt  }
0x53: {  	_ =	shalt  }
0x54: {  	_ =	shalt  }
0x55: {  	_ =	shalt  }
0x56: {  	_ =	shalt  }
0x57: {  	_ =	shalt  }
0x58: {  	_ =	shalt  }
0x59: {  	_ =	shalt  }
0x5a: {  	_ =	shalt  }
0x5b: {  	_ =	shalt  }
0x5c: {  	_ =	shalt  }
0x5d: {  	_ =	shalt  }
0x5e: {  	_ =	shalt  }
0x5f: {  	_ =	shalt  }
0x60: {  	_ =	shalt  }
0x61: {  	_ =	shalt  }
0x62: {  	_ =	shalt  }
0x63: {  	_ =	shalt  }
0x64: {  	_ =	shalt  }
0x65: {  	_ =	shalt  }
0x66: {  	_ =	shalt  }
0x67: {  	_ =	shalt  }
0x68: {  	_ =	shalt  }
0x69: {  	_ =	shalt  }
0x6a: {  	_ =	shalt  }
0x6b: {  	_ =	shalt  }
0x6c: {  	_ =	shalt  }
0x6d: {  	_ =	shalt  }
0x6e: {  	_ =	shalt  }
0x6f: {  	_ =	shalt  }
0x70: {  	_ =	shalt  }
0x71: {  	_ =	shalt  }
0x72: {  	_ =	shalt  }
0x73: {  	_ =	shalt  }
0x74: {  	_ =	shalt  }
0x75: {  	_ =	shalt  }
0x76: {  	_ =	shalt  }
0x77: {  	_ =	shalt  }
0x78: {  	_ =	shalt  }
0x79: {  	_ =	shalt  }
0x7a: {  	_ =	shalt  }
0x7b: {  	_ =	shalt  }
0x7c: {  	_ =	shalt  }
0x7d: {  	_ =	shalt  }
0x7e: {  	_ =	shalt  }
0x7f: {  	_ =	shalt  }
0x80: {  	_ =	shalt  }
0x81: {  	_ =	shalt  }
0x82: {  	_ =	shalt  }
0x83: {  	_ =	shalt  }
0x84: {  	_ =	shalt  }
0x85: {  	_ =	shalt  }
0x86: {  	_ =	shalt  }
0x87: {  	_ =	shalt  }
.Lfunc_end0:
.L_simem_size_0:
called_computation_lowered:
.L_overlay_start_0:
0x88: {  	s2 =	sld [smem:$0x3FD9]  }
0x89: {  	s3 =	sld [smem:$0x3FFE];
	_ =	sdelay $0x1  }
0x8a: {  	s1 =	srdreg.scid  }
0x8b: {  	s0 =	sand.u32 $0x1, s1  }
0x8c: {  	s14 =	sshll.u32 s0, $0xA;
	s2 =	sadd.s32 s3, s2  }
0x8d: {  	s2 =	sadd.s32 s2, s14  }
0x8e: {  	[smem:$0x3FC6] =	sst s2  }
0x8f: {  	_ = 	snop  }
0x90: {  	s2 =	sld [smem:$0x3FD0];
	_ =	sdelay $0x2  }
0x91: {  	s15 =	simm.s32 $0xA;
	s4 =	simm.s32 $0x10  }
0x92: {  	[smem:s4], [sflag:s15] =	dma.local [hbm:s2], $0x1  }
0x93: {  	_ =	swait.eq [sflag:s15], $0x1  }
0x94: {  	[sflag:s15] =	ssyncset.done $0x0  }
0x95: {  	[sflag:s15] =	ssyncadd.s32 $0xFFFFFFFF  }
0x96: {  	s16 =	sld [smem:$0x10];
	(tm) =	ssettm $0x1  }
0x97: {  	s17 =	sld [smem:$0x3FFB];
	_ =	sdelay $0x3  }
0x98: {  	_ =	strace s17  }
0x99: {  	s3 =	sld [smem:$0x3FFC];
	_ =	sdelay $0x3  }
0x9a: {  	_ =	strace s3  }
0x9b: {  	s3 =	sld [smem:$0x3FFD];
	_ =	sdelay $0x3  }
0x9c: {  	_ =	strace s3  }
0x9d: {  	_ =	strace $0x8FFFFFFF  }
0x9e: {  	s18 =	sld [smem:$0x3FDB];
	_ =	sdelay $0x1  }
0x9f: {  	s19 =	simm.s32 $_scs_section_size  }
0xa0: {  	s5 =	simm.s32 $_size__tile_overlayer_lowered;
	s6 =	simm.s32 $_tile_overlayer_lowered  }
0xa1: {  	s22 =	simm.s32 $0x1BFF;
	s21 =	sshll.u32 s6, $0x1;
	s3 =	sadd.s32 s19, s18  }
0xa2: {  	s7 =	simm.s32 $0x0;
	s20 =	sshll.u32 s5, $0x1;
	s5 =	sadd.s32 s21, s3  }
0xa3: {  	[timem:s7], [sflag:s22] =	dma.local [hbm:s5], s20  }
0xa4: {  	_ =	swait.ge [sflag:s22], s20  }
0xa5: {  	s4 =	ssub.s32 $0x0, s20;
	[sflag:s22] =	ssyncset.done $0x0  }
0xa6: {  	[sflag:s22] =	ssyncadd.s32 s4;
	_ =	sdelay $0x1  }
0xa7: {  	s23 =	simm.s32 $0x1B8B  }
0xa8: {  	_ =	swait.ge [sflag:s23], $0x1  }
0xa9: {  	[sflag:s23] =	ssyncset.done $0x0  }
0xaa: {  	s25 =	simm.s32 $0x1B8E;
	s24 =	sld [smem:$0x3FFE];
	[sflag:s23] =	ssyncadd.s32 $0xFFFFFFFF  }
0xab: {  	s26 =	simm.s32 $execute0_lowered;
	[smem:$0x3FD2] =	sst s25  }
0xac: {  	s5 =	sshll.u32 s26, $0x1;
	_ =	strace $0x80000046;
	[dreg:$0x1] =	wrdreg $0xFFFFFFFF  }
0xad: {  	s28 =	simm.s32 $_size_execute0_lowered;
	s3 =	sadd.s32 s3, s5;
	[dreg:$0x0] =	wrdreg $0x0  }
0xae: {  	s5 =	sshll.u32 s28, $0x1;
	[dreg:$0x2] =	wrdreg s3  }
0xaf: {  	[dreg:$0x3] =	wrdreg s5  }
0xb0: {  	[dreg:$0x4] =	wrdreg $0xC0  }
0xb1: {  	_ =	task [dreg:s7], $0x5FFFF  }
0xb2: {  	[dreg:$0x1] =	wrdreg $0xFFFFFFFF  }
0xb3: {  	[dreg:$0x0] =	wrdreg $0x60  }
0xb4: {  	[dreg:$0x2] =	wrdreg s24  }
0xb5: {  	[dreg:$0x3] =	wrdreg s16  }
0xb6: {  	[dreg:$0x4] =	wrdreg $0x0  }
0xb7: {  	[dreg:$0x5] =	wrdreg $0x9  }
0xb8: {  	_ =	task.clear_ibuf [dreg:s7], $0x6FFFF;
	_ =	strace $0x90000046  }
0xb9: {  	s29 =	simm.s32 $0x9;
	_ =	strace $0x80000048  }
0xba: {  	_ =	swait.ge [sflag:s29], $0x1  }
0xbb: {  	[sflag:s29] =	ssyncadd.s32 $0xFFFFFFFF  }
0xbc: {  	_ =	strace $0x90000048  }
0xbd: {  	_ =	sfence  }
0xbe: {  	s30 =	sld [smem:$0x0];
	_ =	sdelay $0x2  }
0xbf: {  	s31 =	sshll.u32 s1, $0xD;
	s1 =	sshrl.u32 s1, $0x2  }
0xc0: {  	s3 =	sand.u32 $0x4000, s31;
	s1 =	sadd.s32 s1, s30  }
0xc1: {  	s0 =	sor.u32 s3, s0;
	s1 =	sshll.u32 s1, $0x11  }
0xc2: {  	s0 =	sor.u32 s1, s0  }
0xc3: {  	s0 =	sadd.s32 $0x8F2B, s0  }
0xc4: {  	[sflag:s0] =	ssyncadd.remote.s32 $0x1  }
0xc5: {  	_ =	sfence.sel $0xFFFF  }
0xc6: {  	[dreg:$0x0] =	wrdreg $0xFFFFFFFF;
	(pc) =	sbr.abs _section_cstart, $3  }
0xc7: {  	[dreg:$0x1] =	wrdreg $0xFFFFFFFF  }
0xc8: {  	_ =	task.clear_ibuf [dreg:s7], $0x2FFFF;
	_ =	strace $0x9FFFFFFF  }
0xc9: {  	(tm) =	ssettm $0x7FFFFFFF  }
tec
execute0_lowered:
.L_overlay_start_1:
0x0: {  	(tag) =	ssettag $0x1  }
0x1: {  	v0 =	vimm.f32 $1.500000000e+01;
	vm0 =	vcmask $0x300  }
0x2: {  	v0 =	vsel vm0, $0x0, v0;
	vm0 =	vcmask $0x704  }
0x3: {  	v0 =	vsel vm0, $0x3F800000, v0;
	vm0 =	vcmask $0xB08  }
0x4: {  	s4 =	rddreg [dreg:$0x0];
	v0 =	vsel vm0, $0x40000000, v0;
	vm0 =	vcmask $0xF0C  }
0x5: {  	s5 =	rddreg [dreg:$0x1];
	v0 =	vsel vm0, $0x40400000, v0;
	vm0 =	vcmask $0x1310  }
0x6: {  	s1 =	rddreg [dreg:$0x2];
	v0 =	vsel vm0, $0x40800000, v0;
	vm0 =	vcmask $0x1714  }
0x7: {  	s0 =	rddreg [dreg:$0x3];
	s2 =	simm.s32 $0x0;
	s3 =	srdreg.scid;
	v0 =	vsel vm0, $0x40A00000, v0;
	vm0 =	vcmask $0x1B18  }
0x8: {  	s6 =	stileid.u32;
	s12 =	simm.s32 $0x9800;
	s13 =	simm.s32 $0x9880;
	v0 =	vsel vm0, $0x40C00000, v0;
	vm0 =	vcmask $0x1F1C  }
0x9: {  	s14 =	simm.s32 $0x0;
	[smem:$0x7FF] =	sst s2;
	s7 =	sand.u32 $0x1, s3;
	v0 =	vsel vm0, $0x40E00000, v0;
	vm0 =	vcmask $0x2320  }
0xa: {  	s8 =	sshll.u32 s6, $0x1;
	s3 =	sadd.s32 $0x5000, s4;
	p0 =	sne.s32 s6, $0x0;
	v0 =	vsel vm0, $0x41000000, v0;
	vm0 =	vcmask $0x2724  }
0xb: {  	_ =	strace $0x80000047;
	s8 =	sor.u32 s7, s8;
	s7 =	ssub.s32 $0x2, s7;
	v0 =	vsel vm0, $0x41100000, v0;
	vm0 =	vcmask $0x2B28  }
.Ltmp0:
0xc: {  	s9 =	sshll.u32 s8, $0x9;
	s8 =	sshll.u32 s8, $0x2;
	v0 =	vsel vm0, $0x41200000, v0;
	vm0 =	vcmask $0x2F2C;
	(pc) =	sbr.rel .LBB2_1-.Ltmp0, $4  }
0xd: {  	s10 =	sshrl.u32 s7, $0x1;
	s9 =	sadd.s32 s9, s4;
	s11 =	sadd.s32 s8, s4;
	v0 =	vsel vm0, $0x41300000, v0;
	vm0 =	vcmask $0x3330  }
0xe: {  	s7 =	ssub.s32 s7, s10;
	s5 =	sadd.s32 s5, s8;
	s8 =	sshrl.u32 @!p0 s1, $0x3;
	v0 =	vsel vm0, $0x41400000, v0;
	vm0 =	vcmask $0x3734  }
0xf: {  	s10 =	simm.s32 $0x1;
	s4 =	sadd.s32 $0x1000, s9;
	s6 =	sadd.s32 $0x6000, s11;
	v0 =	vsel vm0, $0x41500000, v0;
	vm0 =	vcmask $0x3B38  }
0x10: {  	v1 =	vlaneseq.u32;
	s7 =	smax.u32 s7, $0x1;
	s9 =	simm.s32 $0x8800;
	s11 =	simm.s32 $0x800;
	v0 =	vsel vm0, $0x41600000, v0;
	vm0 =	vmxor vm0, vm0  }
.LBB2_19:
0x11: {  	[tilespmem:$0x9810] =	vst v3  }
0x12: {  	[tilespmem:$0x9890] =	vst v2  }
0x13: {  	[hbm4b:s5+s2] =	stream.linear.scatter [tilespmem:s12], [sflag:$0x1], $0x20, $0x38;
	[tilespmem:$0x9900] =	vst v63  }
0x14: {  	s14 =	sadd.s32 $0x1, s14;
	_ =	swait.ge [sflag:s10], $0x20  }
0x15: {  	p1 =	sne.s32 s14, s7;
	[sflag:s10] =	ssyncset.done $0x0  }
.Ltmp1:
0x16: {  	[sflag:s10] =	ssyncadd.s32 $0xFFFFFFE0;
	(pc) =	sbr.rel @!p1 .LBB2_20-.Ltmp1, $4  }
0x17: {  	[hbm4b:s6+s2] =	stream.linear.scatter [tilespmem:s13], [sflag:$0x1], $0x20, $0x38;
	[tilespmem:$0x9900] =	vst v63  }
0x18: {  	_ =	swait.ge [sflag:s10], $0x20  }
0x19: {  	[sflag:s10] =	ssyncset.done $0x0  }
0x1a: {  	[sflag:s10] =	ssyncadd.s32 $0xFFFFFFE0  }
.LBB2_1:
0x1b: {  	s15 =	simm.s32 @!p0 $0x1C01  }
0x1c: {  	[spmem:s8], [sflag:s15] =	dma.local @!p0 [hbm:s3], $0x1000  }
0x1d: {  	s15 =	simm.s32 @!p0 $0x1  }
0x1e: {  	_ =	swait.ge @!p0 [sflag:s15], $0x1000  }
0x1f: {  	[sflag:s15] =	ssyncset.done @!p0 $0x0  }
0x20: {  	[sflag:s15] =	ssyncadd.s32 @!p0 $0xFFFFF000  }
0x21: {  	[tilespmem:s9], [sflag:$0x1] =	stream.linear.gather [hbm4b:s4+s2], $0x1000, $0x38;
	[tilespmem:$0x9900] =	vst v63  }
0x22: {  	_ =	swait.ge [sflag:s10], $0x1000  }
0x23: {  	[sflag:s10] =	ssyncset.done $0x0  }
0x24: {  	[sflag:s10] =	ssyncadd.s32 $0xFFFFF000  }
.Ltmp2:
0x25: {  	[bflag:$0x0] =	sbarrier.arrive $0xFFFF;
	(pc) =	sbr.rel .LBB2_2-.Ltmp2, $4  }
0x26: {  	[tilespmem:s11], [sflag:$0x1] =	stream.linear.gather [spmem:s1], $0x8000, $0x38;
	[tilespmem:$0x9900] =	vst v63  }
0x27: {  	_ =	swait.ge [sflag:s10], $0x8000  }
0x28: {  	[sflag:s10] =	ssyncset.done $0x0  }
0x29: {  	v2 =	vimm.f32 $0.0e+00;
	v3 =	vimm.f32 $0.0e+00;
	s15 =	simm.s32 $0x0;
	[sflag:s10] =	ssyncadd.s32 $0xFFFF8000  }
.LBB2_4:
0x2a: {  	v14 =	vimm.f32 $-1.000000000e+00  }
.LBB2_8:
0x2b: {  	v11 =	vadd.s32 v8, v21;
	v12 =	vshll.u32 v22, $0x7  }
0x2c: {  	v13 =	vsub.s32 v9, v20;
	v15 =	vnsel vm5, $0xFF, v18;
	v12 =	vadd.s32 v12, v11  }
0x2d: {  	v60 =	vadd.s32 v8, v13;
	v61 =	vshll.u32 v15, $0x7  }
0x2e: {  	v13 =	vadd.s32 v61, v60;
	_ =	sdelay $0x2  }
0x2f: {  	v12 =	vld.idx.msk [tilespmem:v12+s11+$0x0], $0xffff  }
0x30: {  	v16 =	vmax.f32 @p1 v16, v19;
	v15 =	vshll.u32 @p1 v17, $0x10;
	v17 =	vand.u32 @p1 $0xFFFF0000, v17  }
0x31: {  	v11 =	vshll.u32 v11, $0x1;
	v16 =	vnsel @p1 vm2, $0xBF800000, v16;
	v15 =	vsel @p1 vm3, $0xBF800000, v15;
	v13 =	vld.idx.msk [tilespmem:v13+s11+$0x0], $0xffff  }
0x32: {  	v17 =	vnsel @p1 vm4, $0xBF800000, v17;
	v8 =	vshll.u32 v60, $0x1;
	vm3 =	vlt.s32 v11, v7  }
0x33: {  	v15 =	vmax.f32 @p1 v15, v17;
	vm2 =	vlt.s32 v8, v7;
	vm15 =	vlt.s32 v8, v6  }
0x34: {  	v15 =	vnsel @p1 vm1, $0xBF800000, v15;
	vm1 =	vlt.s32 v9, v5;
	v7 =	vshll.u32 v12, $0x10  }
0x35: {  	v15 =	vmax.f32 @p1 v15, v16;
	v62 =	vand.u32 $0xFFFF0000, v12;
	v7 =	vsel vm3, $0xBF800000, v7  }
0x36: {  	vm3 =	vlt.s32 v11, v6;
	v6 =	vshll.u32 v13, $0x10;
	v63 =	vand.u32 $0xFFFF0000, v13  }
0x37: {  	v8 =	vnsel vm3, $0xBF800000, v62;
	v6 =	vsel vm2, $0xBF800000, v6;
	v9 =	vnsel vm15, $0xBF800000, v63  }
0x38: {  	vm2 =	vlt.s32 v10, v5;
	v5 =	vmax.f32 v7, v8;
	v6 =	vmax.f32 v6, v9  }
0x39: {  	v7 =	vmax.f32 @p1 v14, v15;
	v6 =	vnsel vm1, $0xBF800000, v6;
	v5 =	vnsel vm2, $0xBF800000, v5  }
0x3a: {  	v4 =	vpsel p1, v7, v4;
	v5 =	vmax.f32 v6, v5  }
0x3b: {  	v4 =	vmax.f32 v4, v5  }
.LBB2_9:
0x3c: {  	(xrf1) =	vsort.ascd.msk.f32 $0xffff, v4, v4;
	_ =	sdelay $0xd  }
0x3d: {  	v4, _, _ =	vpop (xrf1)  }
0x3e: {  	(v2sf) =	vpush v4, $0xF;
	_ =	sdelay $0xe  }
0x3f: {  	s16 =	spop (v2sf)  }
0x40: {  	p1 =	sgt.f32 s16, $-5.000000000e-01  }
0x41: {  	vm1 =	vmmov vm0;
	v4 =	vmov s15;
	s15 =	sadd.s32 $0x1, s15  }
0x42: {  	vm1 =	vmneg @p1 vm1;
	p1 =	sne.s32 s15, $0x10  }
.Ltmp3:
0x43: {  	_ = 	snop;
	(pc) =	sbr.rel @!p1 .LBB2_10-.Ltmp3, $4  }
0x44: {  	_ = 	snop  }
0x45: {  	vm2 =	veq.s32 v4, v1  }
0x46: {  	s16 =	smax.f32 s16, $0.0e+00;
	vm1 =	vmand vm2, vm1  }
0x47: {  	v3 =	vsel vm2, s16, v3;
	v2 =	vsel vm1, $0x3F800000, v2  }
.LBB2_2:
0x48: {  	s16 =	sshll.u32 s15, $0x7  }
0x49: {  	s17 =	sand.u32 $0x3FFFFF80, s16  }
0x4a: {  	v5 =	vld [tilespmem:s17+$0x8850];
	_ =	sdelay $0x4  }
0x4b: {  	(v2sf) =	vpush v5, $0x0;
	_ =	sdelay $0xe  }
0x4c: {  	s16 =	spop (v2sf)  }
0x4d: {  	v7 =	vld [tilespmem:s17+$0x8800];
	p1 =	slt.s32 s16, $0x1  }
.Ltmp4:
0x4e: {  	v8 =	vld [tilespmem:s17+$0x8830];
	(pc) =	sbr.rel @p1 .LBB2_9-.Ltmp4, $4  }
0x4f: {  	v6 =	vld [tilespmem:s17+$0x8810]  }
0x50: {  	v11 =	vld [tilespmem:s17+$0x8820]  }
0x51: {  	v12 =	vld [tilespmem:s17+$0x8840]  }
0x52: {  	v4 =	vimm.f32 $-1.000000000e+00;
	v13 =	vld [tilespmem:s17+$0x8860]  }
0x53: {  	v9 =	vadd.f32 $1.600000000e+01, v0;
	_ =	sdelay $0x1  }
0x54: {  	v9 =	vadd.f32 $5.000000000e-01, v9  }
0x55: {  	v10 =	vadd.f32 $5.000000000e-01, v0  }
0x56: {  	v9 =	vmul.f32 v9, v13  }
0x57: {  	v10 =	vmul.f32 v10, v13  }
0x58: {  	p2 =	sgt.s32 s16, $0x20;
	v9 =	vtrunc.f32 v9  }
.Ltmp5:
0x59: {  	v10 =	vtrunc.f32 v10;
	v15 =	vcvt.f32.s32 v9;
	(pc) =	sbr.rel @!p2 .LBB2_4-.Ltmp5, $4  }
0x5a: {  	v14 =	vadd.f32 $3.200000000e+01, v0;
	v9 =	vlaneseq.u32;
	v16 =	vcvt.f32.s32 v10  }
0x5b: {  	v10 =	vadd.s32 $0x10, v9;
	v17 =	vmul.u32 v15, v12;
	v15 =	vadd.s32 v15, v11  }
0x5c: {  	v20 =	vmul.u32 v16, v12;
	v18 =	vadd.s32 v16, v11;
	vm1 =	vlt.s32 v15, $0xFF  }
0x5d: {  	p1 =	por $0x0, $0x0;
	vm5 =	vlt.s32 v18, $0xFF;
	v21 =	vsub.s32 v10, v17;
	v22 =	vnsel vm1, $0xFF, v15  }
0x5e: {  	v15 =	vadd.s32 v8, v21;
	v16 =	vshll.u32 v22, $0x7  }
0x5f: {  	v16 =	vadd.s32 v16, v15;
	_ =	sdelay $0x1  }
0x60: {  	v17 =	vsub.s32 v9, v20;
	v18 =	vnsel vm5, $0xFF, v18  }
0x61: {  	v19 =	vadd.f32 $1.600000000e+01, v14;
	v17 =	vadd.s32 v8, v17;
	v18 =	vshll.u32 v18, $0x7  }
0x62: {  	v21 =	vadd.s32 v18, v17  }
0x63: {  	v18 =	vshll.u32 v15, $0x1;
	v15 =	vadd.f32 $5.000000000e-01, v19;
	v19 =	vadd.f32 $5.000000000e-01, v14;
	v16 =	vld.idx.msk [tilespmem:v16+s11+$0x0], $0xffff;
	_ =	sdelay $0x1  }
0x64: {  	v17 =	vshll.u32 v17, $0x1;
	v20 =	vmul.f32 v15, v13;
	v19 =	vmul.f32 v19, v13  }
0x65: {  	vm3 =	vlt.s32 v17, v7;
	vm4 =	vlt.s32 v17, v6;
	vm5 =	vlt.s32 v18, v7  }
0x66: {  	v15 =	vadd.f32 $3.200000000e+01, v14;
	v14 =	vtrunc.f32 v20;
	v17 =	vtrunc.f32 v19  }
0x67: {  	v14 =	vcvt.f32.s32 v14;
	v17 =	vcvt.f32.s32 v17;
	v19 =	vshll.u32 v16, $0x10  }
0x68: {  	p2 =	sgt.s32 s16, $0x40;
	v20 =	vand.u32 $0xFFFF0000, v16;
	v16 =	vsel vm5, $0xBF800000, v19;
	vm5 =	vlt.s32 v18, v6  }
.Ltmp6:
0x69: {  	v18 =	vadd.s32 v17, v11;
	v19 =	vnsel vm5, $0xBF800000, v20;
	v20 =	vmul.u32 v17, v12;
	v17 =	vld.idx.msk [tilespmem:v21+s11+$0x0], $0xffff;
	(pc) =	sbr.rel @!p2 .LBB2_6-.Ltmp6, $4  }
0x6a: {  	vm1 =	vlt.s32 v9, v5;
	vm2 =	vlt.s32 v10, v5  }
0x6b: {  	v9 =	vadd.s32 $0x20, v9;
	v22 =	vmul.u32 v14, v12;
	v14 =	vadd.s32 v14, v11  }
0x6c: {  	v10 =	vadd.s32 $0x10, v9;
	vm6 =	vlt.s32 v14, $0xFF;
	vm5 =	vlt.s32 v18, $0xFF  }
0x6d: {  	s17 =	simm.s32 $0x40;
	p1 =	por $0x1, $0x1;
	v21 =	vsub.s32 v10, v22;
	v22 =	vnsel vm6, $0xFF, v14;
	v14 =	vimm.f32 $-1.000000000e+00  }
.LBB2_7:
0x6e: {  	s17 =	sadd.s32 $0x20, s17;
	v21 =	vadd.s32 v8, v21;
	v22 =	vshll.u32 v22, $0x7;
	v23 =	vshll.u32 v17, $0x10  }
0x6f: {  	v20 =	vsub.s32 v9, v20;
	v16 =	vmax.f32 v16, v19;
	p2 =	slt.s32 s17, s16;
	v22 =	vadd.s32 v22, v21  }
0x70: {  	v18 =	vnsel vm5, $0xFF, v18;
	v17 =	vand.u32 $0xFFFF0000, v17;
	v19 =	vadd.s32 v8, v20  }
0x71: {  	v18 =	vshll.u32 v18, $0x7;
	v20 =	vsel vm3, $0xBF800000, v23;
	v17 =	vnsel vm4, $0xBF800000, v17  }
0x72: {  	v21 =	vshll.u32 v21, $0x1;
	v18 =	vadd.s32 v18, v19;
	v17 =	vmax.f32 v20, v17  }
0x73: {  	v16 =	vnsel vm2, $0xBF800000, v16;
	v20 =	vadd.f32 $1.600000000e+01, v15;
	v17 =	vnsel vm1, $0xBF800000, v17  }
0x74: {  	v19 =	vshll.u32 v19, $0x1;
	v16 =	vmax.f32 v17, v16;
	v22 =	vld.idx.msk [tilespmem:v22+s11+$0x0], $0xffff  }
0x75: {  	v17 =	vadd.f32 $5.000000000e-01, v15;
	v20 =	vadd.f32 $5.000000000e-01, v20;
	v14 =	vmax.f32 v14, v16  }
0x76: {  	vm2 =	vlt.s32 v10, v5;
	vm1 =	vlt.s32 v9, v5;
	v9 =	vadd.s32 $0x20, v9  }
0x77: {  	v15 =	vadd.f32 $3.200000000e+01, v15;
	v16 =	vmul.f32 v17, v13;
	v17 =	vmul.f32 v20, v13  }
0x78: {  	vm3 =	vlt.s32 v19, v7;
	vm4 =	vlt.s32 v19, v6;
	v10 =	vadd.s32 $0x10, v9  }
0x79: {  	vm5 =	vlt.s32 v21, v7;
	v16 =	vtrunc.f32 v16;
	v19 =	vtrunc.f32 v17;
	v17 =	vld.idx.msk [tilespmem:v18+s11+$0x0], $0xffff  }
.Ltmp7:
0x7a: {  	v19 =	vcvt.f32.s32 v19;
	v18 =	vcvt.f32.s32 v16;
	v16 =	vshll.u32 v22, $0x10;
	(pc) =	sbr.rel @p2 .LBB2_7-.Ltmp7, $4  }
0x7b: {  	v20 =	vand.u32 $0xFFFF0000, v22;
	v16 =	vsel vm5, $0xBF800000, v16;
	vm5 =	vlt.s32 v21, v6  }
0x7c: {  	v22 =	vadd.s32 v19, v11;
	v21 =	vmul.u32 v19, v12;
	v19 =	vnsel vm5, $0xBF800000, v20  }
0x7d: {  	vm6 =	vlt.s32 v22, $0xFF;
	v20 =	vmul.u32 v18, v12;
	v18 =	vadd.s32 v18, v11  }
0x7e: {  	v22 =	vnsel vm6, $0xFF, v22;
	vm5 =	vlt.s32 v18, $0xFF;
	v21 =	vsub.s32 v10, v21  }
.Ltmp8:
0x7f: {  	_ = 	snop;
	(pc) =	sbr.rel .LBB2_8-.Ltmp8, $1  }
0x80: {  	_ =	sdelay $0x3  }
.LBB2_6:
.Ltmp9:
0x81: {  	(pc) =	sbr.rel .LBB2_8-.Ltmp9, $2  }
0x82: {  	_ =	sdelay $0x2  }
0x83: {  	v14 =	vimm.f32 $-1.000000000e+00  }
.LBB2_10:
.Ltmp10:
0x84: {  	(pc) =	sbr.rel .LBB2_11-.Ltmp10, $3  }
0x85: {  	_ =	sdelay $0x1  }
0x86: {  	[tilespmem:$0x9800] =	vst v3  }
0x87: {  	[tilespmem:$0x9880] =	vst v2;
	s15 =	simm.s32 $0x0;
	v2 =	vimm.f32 $0.0e+00;
	v3 =	vimm.f32 $0.0e+00;
	s16 =	simm.s32 $0x0  }
.LBB2_13:
0x88: {  	v14 =	vimm.f32 $-1.000000000e+00  }
.LBB2_17:
0x89: {  	v11 =	vadd.s32 v9, v21;
	v12 =	vshll.u32 v22, $0x7  }
0x8a: {  	v13 =	vsub.s32 v8, v20;
	v15 =	vnsel vm5, $0xFF, v18;
	v12 =	vadd.s32 v12, v11  }
0x8b: {  	v60 =	vadd.s32 v9, v13;
	v61 =	vshll.u32 v15, $0x7  }
0x8c: {  	v13 =	vadd.s32 v61, v60;
	_ =	sdelay $0x2  }
0x8d: {  	v12 =	vld.idx.msk [tilespmem:v12+s11+$0x0], $0xffff  }
0x8e: {  	v16 =	vmax.f32 @p1 v16, v19;
	v15 =	vshll.u32 @p1 v17, $0x10;
	v17 =	vand.u32 @p1 $0xFFFF0000, v17  }
0x8f: {  	v11 =	vshll.u32 v11, $0x1;
	v16 =	vnsel @p1 vm2, $0xBF800000, v16;
	v15 =	vsel @p1 vm3, $0xBF800000, v15;
	v13 =	vld.idx.msk [tilespmem:v13+s11+$0x0], $0xffff  }
0x90: {  	v17 =	vnsel @p1 vm4, $0xBF800000, v17;
	v9 =	vshll.u32 v60, $0x1;
	vm3 =	vlt.s32 v11, v7  }
0x91: {  	v15 =	vmax.f32 @p1 v15, v17;
	vm2 =	vlt.s32 v9, v7;
	vm15 =	vlt.s32 v9, v6  }
0x92: {  	v15 =	vnsel @p1 vm1, $0xBF800000, v15;
	vm1 =	vlt.s32 v8, v4;
	v7 =	vshll.u32 v12, $0x10  }
0x93: {  	v15 =	vmax.f32 @p1 v15, v16;
	v62 =	vand.u32 $0xFFFF0000, v12;
	v7 =	vsel vm3, $0xBF800000, v7  }
0x94: {  	vm3 =	vlt.s32 v11, v6;
	v6 =	vshll.u32 v13, $0x10;
	v63 =	vand.u32 $0xFFFF0000, v13  }
0x95: {  	v8 =	vnsel vm3, $0xBF800000, v62;
	v6 =	vsel vm2, $0xBF800000, v6;
	v9 =	vnsel vm15, $0xBF800000, v63  }
0x96: {  	vm2 =	vlt.s32 v10, v4;
	v4 =	vmax.f32 v7, v8;
	v6 =	vmax.f32 v6, v9  }
0x97: {  	v7 =	vmax.f32 @p1 v14, v15;
	v6 =	vnsel vm1, $0xBF800000, v6;
	v4 =	vnsel vm2, $0xBF800000, v4  }
0x98: {  	v5 =	vpsel p1, v7, v5;
	v4 =	vmax.f32 v6, v4  }
0x99: {  	v5 =	vmax.f32 v5, v4  }
.LBB2_18:
0x9a: {  	(xrf1) =	vsort.ascd.msk.f32 $0xffff, v5, v5;
	_ =	sdelay $0xd  }
0x9b: {  	v4, _, _ =	vpop (xrf1)  }
0x9c: {  	(v2sf) =	vpush v4, $0xF;
	_ =	sdelay $0xe  }
0x9d: {  	s17 =	spop (v2sf)  }
0x9e: {  	p1 =	sgt.f32 s17, $-5.000000000e-01  }
0x9f: {  	vm1 =	vmmov vm0;
	v4 =	vmov s16;
	s16 =	sadd.s32 $0x1, s16  }
0xa0: {  	vm1 =	vmneg @p1 vm1;
	p1 =	sne.s32 s16, $0x10  }
.Ltmp11:
0xa1: {  	_ = 	snop;
	(pc) =	sbr.rel @!p1 .LBB2_19-.Ltmp11, $4  }
0xa2: {  	_ = 	snop  }
0xa3: {  	vm2 =	veq.s32 v4, v1  }
0xa4: {  	s17 =	smax.f32 s17, $0.0e+00;
	vm1 =	vmand vm2, vm1  }
0xa5: {  	v3 =	vsel vm2, s17, v3;
	v2 =	vsel vm1, $0x3F800000, v2  }
.LBB2_11:
0xa6: {  	s17 =	sshll.u32 s16, $0x7  }
0xa7: {  	s18 =	sand.u32 $0x3FFFFF80, s17  }
0xa8: {  	v4 =	vld [tilespmem:s18+$0x9050];
	_ =	sdelay $0x4  }
0xa9: {  	(v2sf) =	vpush v4, $0x0;
	_ =	sdelay $0xe  }
0xaa: {  	s17 =	spop (v2sf)  }
0xab: {  	v7 =	vld [tilespmem:s18+$0x9000];
	p1 =	slt.s32 s17, $0x1  }
.Ltmp12:
0xac: {  	v9 =	vld [tilespmem:s18+$0x9030];
	(pc) =	sbr.rel @p1 .LBB2_18-.Ltmp12, $4  }
0xad: {  	v6 =	vld [tilespmem:s18+$0x9010]  }
0xae: {  	v11 =	vld [tilespmem:s18+$0x9020]  }
0xaf: {  	v12 =	vld [tilespmem:s18+$0x9040]  }
0xb0: {  	v8 =	vlaneseq.u32;
	v5 =	vimm.f32 $-1.000000000e+00;
	v13 =	vld [tilespmem:s18+$0x9060]  }
0xb1: {  	v10 =	vadd.f32 $1.600000000e+01, v0;
	_ =	sdelay $0x1  }
0xb2: {  	v10 =	vadd.f32 $5.000000000e-01, v10  }
0xb3: {  	v14 =	vadd.f32 $5.000000000e-01, v0  }
0xb4: {  	v10 =	vmul.f32 v10, v13  }
0xb5: {  	s18 =	sadd.s32 $0x20, s15;
	v14 =	vmul.f32 v14, v13  }
0xb6: {  	p2 =	slt.s32 s18, s17;
	v10 =	vtrunc.f32 v10  }
.Ltmp13:
0xb7: {  	v15 =	vtrunc.f32 v14;
	v16 =	vcvt.f32.s32 v10;
	(pc) =	sbr.rel @!p2 .LBB2_13-.Ltmp13, $4  }
0xb8: {  	v14 =	vadd.f32 $3.200000000e+01, v0;
	v15 =	vcvt.f32.s32 v15  }
0xb9: {  	v10 =	vadd.s32 $0x10, v8;
	v17 =	vmul.u32 v16, v12;
	v16 =	vadd.s32 v16, v11  }
0xba: {  	v20 =	vmul.u32 v15, v12;
	v18 =	vadd.s32 v15, v11;
	vm1 =	vlt.s32 v16, $0xFF  }
0xbb: {  	p1 =	por $0x0, $0x0;
	vm5 =	vlt.s32 v18, $0xFF;
	v21 =	vsub.s32 v10, v17;
	v22 =	vnsel vm1, $0xFF, v16  }
0xbc: {  	v15 =	vadd.s32 v9, v21;
	v16 =	vshll.u32 v22, $0x7  }
0xbd: {  	v16 =	vadd.s32 v16, v15;
	_ =	sdelay $0x1  }
0xbe: {  	v17 =	vsub.s32 v8, v20;
	v18 =	vnsel vm5, $0xFF, v18  }
0xbf: {  	v19 =	vadd.f32 $1.600000000e+01, v14;
	v17 =	vadd.s32 v9, v17;
	v18 =	vshll.u32 v18, $0x7  }
0xc0: {  	v21 =	vadd.s32 v18, v17  }
0xc1: {  	v18 =	vshll.u32 v15, $0x1;
	v15 =	vadd.f32 $5.000000000e-01, v19;
	v19 =	vadd.f32 $5.000000000e-01, v14;
	v16 =	vld.idx.msk [tilespmem:v16+s11+$0x0], $0xffff;
	_ =	sdelay $0x1  }
0xc2: {  	v17 =	vshll.u32 v17, $0x1;
	v20 =	vmul.f32 v15, v13;
	v19 =	vmul.f32 v19, v13  }
0xc3: {  	vm3 =	vlt.s32 v17, v7;
	vm4 =	vlt.s32 v17, v6;
	vm5 =	vlt.s32 v18, v7  }
0xc4: {  	v15 =	vadd.f32 $3.200000000e+01, v14;
	v14 =	vtrunc.f32 v20;
	v17 =	vtrunc.f32 v19  }
0xc5: {  	s18 =	sadd.s32 $0x20, s18;
	v14 =	vcvt.f32.s32 v14;
	v17 =	vcvt.f32.s32 v17;
	v19 =	vshll.u32 v16, $0x10  }
0xc6: {  	p2 =	slt.s32 s18, s17;
	v20 =	vand.u32 $0xFFFF0000, v16;
	v16 =	vsel vm5, $0xBF800000, v19;
	vm5 =	vlt.s32 v18, v6  }
.Ltmp14:
0xc7: {  	v18 =	vadd.s32 v17, v11;
	v19 =	vnsel vm5, $0xBF800000, v20;
	v20 =	vmul.u32 v17, v12;
	v17 =	vld.idx.msk [tilespmem:v21+s11+$0x0], $0xffff;
	(pc) =	sbr.rel @!p2 .LBB2_15-.Ltmp14, $4  }
0xc8: {  	vm1 =	vlt.s32 v8, v4;
	vm2 =	vlt.s32 v10, v4  }
0xc9: {  	v8 =	vadd.s32 $0x20, v8;
	v22 =	vmul.u32 v14, v12;
	v14 =	vadd.s32 v14, v11  }
0xca: {  	v10 =	vadd.s32 $0x10, v8;
	vm6 =	vlt.s32 v14, $0xFF;
	vm5 =	vlt.s32 v18, $0xFF  }
0xcb: {  	p1 =	por $0x1, $0x1;
	v21 =	vsub.s32 v10, v22;
	v22 =	vnsel vm6, $0xFF, v14;
	v14 =	vimm.f32 $-1.000000000e+00  }
.LBB2_16:
0xcc: {  	s18 =	sadd.s32 $0x20, s18;
	v21 =	vadd.s32 v9, v21;
	v22 =	vshll.u32 v22, $0x7;
	v23 =	vshll.u32 v17, $0x10  }
0xcd: {  	v20 =	vsub.s32 v8, v20;
	v16 =	vmax.f32 v16, v19;
	p2 =	slt.s32 s18, s17;
	v22 =	vadd.s32 v22, v21  }
0xce: {  	v18 =	vnsel vm5, $0xFF, v18;
	v17 =	vand.u32 $0xFFFF0000, v17;
	v19 =	vadd.s32 v9, v20  }
0xcf: {  	v18 =	vshll.u32 v18, $0x7;
	v20 =	vsel vm3, $0xBF800000, v23;
	v17 =	vnsel vm4, $0xBF800000, v17  }
0xd0: {  	v21 =	vshll.u32 v21, $0x1;
	v18 =	vadd.s32 v18, v19;
	v17 =	vmax.f32 v20, v17  }
0xd1: {  	v16 =	vnsel vm2, $0xBF800000, v16;
	v20 =	vadd.f32 $1.600000000e+01, v15;
	v17 =	vnsel vm1, $0xBF800000, v17  }
0xd2: {  	v19 =	vshll.u32 v19, $0x1;
	v16 =	vmax.f32 v17, v16;
	v22 =	vld.idx.msk [tilespmem:v22+s11+$0x0], $0xffff  }
0xd3: {  	v17 =	vadd.f32 $5.000000000e-01, v15;
	v20 =	vadd.f32 $5.000000000e-01, v20;
	v14 =	vmax.f32 v14, v16  }
0xd4: {  	vm2 =	vlt.s32 v10, v4;
	vm1 =	vlt.s32 v8, v4;
	v8 =	vadd.s32 $0x20, v8  }
0xd5: {  	v15 =	vadd.f32 $3.200000000e+01, v15;
	v16 =	vmul.f32 v17, v13;
	v17 =	vmul.f32 v20, v13  }
0xd6: {  	vm3 =	vlt.s32 v19, v7;
	vm4 =	vlt.s32 v19, v6;
	v10 =	vadd.s32 $0x10, v8  }
0xd7: {  	vm5 =	vlt.s32 v21, v7;
	v16 =	vtrunc.f32 v16;
	v19 =	vtrunc.f32 v17;
	v17 =	vld.idx.msk [tilespmem:v18+s11+$0x0], $0xffff  }
.Ltmp15:
0xd8: {  	v19 =	vcvt.f32.s32 v19;
	v18 =	vcvt.f32.s32 v16;
	v16 =	vshll.u32 v22, $0x10;
	(pc) =	sbr.rel @p2 .LBB2_16-.Ltmp15, $4  }
0xd9: {  	v20 =	vand.u32 $0xFFFF0000, v22;
	v16 =	vsel vm5, $0xBF800000, v16;
	vm5 =	vlt.s32 v21, v6  }
0xda: {  	v22 =	vadd.s32 v19, v11;
	v21 =	vmul.u32 v19, v12;
	v19 =	vnsel vm5, $0xBF800000, v20  }
0xdb: {  	vm6 =	vlt.s32 v22, $0xFF;
	v20 =	vmul.u32 v18, v12;
	v18 =	vadd.s32 v18, v11  }
0xdc: {  	v22 =	vnsel vm6, $0xFF, v22;
	vm5 =	vlt.s32 v18, $0xFF;
	v21 =	vsub.s32 v10, v21  }
.Ltmp16:
0xdd: {  	_ = 	snop;
	(pc) =	sbr.rel .LBB2_17-.Ltmp16, $1  }
0xde: {  	_ =	sdelay $0x3  }
.LBB2_15:
.Ltmp17:
0xdf: {  	(pc) =	sbr.rel .LBB2_17-.Ltmp17, $2  }
0xe0: {  	_ =	sdelay $0x2  }
0xe1: {  	v14 =	vimm.f32 $-1.000000000e+00  }
.LBB2_20:
0xe2: {  	_ =	sfence.sel $0x180000  }
0xe3: {  	[bflag:$0x0] =	sbarrier.arrive $0xFFFF  }
0xe4: {  	_ =	strace $0x90000047  }
0xe5: {  	s0 =	sadd.s32 @!p0 $0x100000, s0;
	[bflag:$0x2] =	sbarrier.arrive $0xFFFF  }
0xe6: {  	[sflag:s0] =	ssyncadd.tile.s32 @!p0 $0x1;
	_ =	shalt  }
.Lfunc_end2:
_tile_overlayer_lowered:
.L_overlay_start_2:
0xe7: {  	(tag) =	ssettag $0x2  }
0xe8: {  	s0 =	rddreg [dreg:$0x0];
	s2 =	stileid.u32  }
0xe9: {  	s1 =	rddreg [dreg:$0x1];
	p0 =	sne.s32 s2, $0x0  }
0xea: {  	s3 =	rddreg [dreg:$0x2];
	[bflag:$0x3] =	sbarrier.arrive $0xFFFF;
	s2 =	simm.s32 @!p0 $0x1C01  }
0xeb: {  	[timem:s3], [sflag:s2] =	dma.local @!p0 [hbm:s0], s1  }
0xec: {  	s0 =	simm.s32 @!p0 $0x1  }
0xed: {  	_ =	swait.ge @!p0 [sflag:s0], s1  }
0xee: {  	s1 =	ssub.s32 @!p0 $0x0, s1;
	[sflag:s0] =	ssyncset.done @!p0 $0x0  }
0xef: {  	[sflag:s0] =	ssyncadd.s32 @!p0 s1  }
0xf0: {  	[bflag:$0x3] =	sbarrier.arrive $0xFFFF  }
0xf1: {  	_ =	shalt  }

</sc_bundles>
